<compile_context>
chip_gen: v7x
topology: tpu7x:2x2x1
jax: 0.10.2.dev20260603
libtpu: 0.0.44.dev20260713+nightly
codegen_flags: <defaults>
</compile_context>

<pallas_src>
import jax
import jax.numpy as jnp
from jax import lax
from jax.experimental import pallas as pl
from jax.experimental.pallas import tpu as pltpu
from jax.experimental.pallas import tpu_sc as plsc

B, L = 1024, 20
M, E = 1000, 64
H1, H2 = 256, 128
MP = 1024
BB = 256

NC, NS = 2, 16
NW = NC * NS
NRG, NCG = 4, 8
RW = MP // NRG
CW = B // NCG
_DN0 = (((0,), (0,)), ((), ()))


def _counts_sc_body(idsT_hbm, maskT_hbm, out_hbm, ids_v, mask_v, cnt_v):
    wid = lax.axis_index("s") * NC + lax.axis_index("c")
    rb = (wid % NRG) * RW
    cb = (wid // NRG) * CW
    pltpu.sync_copy(idsT_hbm.at[:, pl.ds(cb, CW)], ids_v)
    pltpu.sync_copy(maskT_hbm.at[:, pl.ds(cb, CW)], mask_v)

    zeros16 = jnp.zeros((16,), jnp.float32)

    def _zero_rows(i, _):
        base = i * 16
        for r in range(16):
            for c in range(0, CW, 16):
                cnt_v[base + r, pl.ds(c, 16)] = zeros16
        return 0

    lax.fori_loop(0, RW // 16, _zero_rows, 0)

    lane = lax.iota(jnp.int32, 16)

    def _scatter_l(l, _):
        for c in range(0, CW, 16):
            ids16 = ids_v[l, pl.ds(c, 16)]
            rows = ids16 - rb
            sel = (ids16 >= rb) & (rows < RW)
            cols = lane + c
            vals = mask_v[l, pl.ds(c, 16)]
            plsc.addupdate_scatter(cnt_v, [rows, cols], vals, mask=sel)
        return 0

    lax.fori_loop(0, L, _scatter_l, 0)

    pltpu.sync_copy(cnt_v, out_hbm.at[pl.ds(rb, RW), pl.ds(cb, CW)])


def _counts_sc(idsT, maskT):
    mesh = plsc.VectorSubcoreMesh(core_axis_name="c", subcore_axis_name="s")
    return pl.kernel(
        _counts_sc_body,
        out_type=jax.ShapeDtypeStruct((MP, B), jnp.float32),
        mesh=mesh,
        compiler_params=pltpu.CompilerParams(needs_layout_passes=False),
        scratch_types=[
            pltpu.VMEM((L, CW), jnp.int32),
            pltpu.VMEM((L, CW), jnp.float32),
            pltpu.VMEM((RW, CW), jnp.float32),
        ],
    )(idsT, maskT)


def _tc_body(countsT_ref, maskT_ref, tableT_ref, wlinT_ref, blin_ref,
             w1_ref, b1_ref, w2_ref, b2_ref, w3T_ref, b3_ref, out_ref):
    f32 = jnp.float32
    bf16 = jnp.bfloat16
    maskT = maskT_ref[...]
    counts = countsT_ref[...].astype(bf16)
    denom = jnp.clip(jnp.sum(maskT, axis=0, keepdims=True), 1.0, None)

    tabT = jnp.concatenate(
        [tableT_ref[...].astype(bf16), jnp.zeros((E, MP - (M + 1)), bf16)],
        axis=1)
    user_sum = jnp.dot(tabT, counts, preferred_element_type=f32)
    user = user_sum / denom

    lin = jnp.dot(wlinT_ref[...], counts,
                  preferred_element_type=f32) + blin_ref[...][:, None]

    moviesT = tableT_ref[:, 0:M]
    fm = lax.dot_general(moviesT, user, _DN0,
                         preferred_element_type=f32)

    h = jnp.maximum(
        lax.dot_general(w1_ref[...], user, _DN0, preferred_element_type=f32)
        + b1_ref[...][:, None], 0.0)
    h = jnp.maximum(
        lax.dot_general(w2_ref[...], h, _DN0, preferred_element_type=f32)
        + b2_ref[...][:, None], 0.0)
    mlp = jnp.dot(w3T_ref[...], h,
                  preferred_element_type=f32) + b3_ref[...][:, None]
    out_ref[...] = jax.nn.sigmoid(lin + fm + mlp)


def kernel(ids, mask, table, W_lin, b_lin, W1, b1, W2, b2, W3, b3):
    full = lambda shape: pl.BlockSpec(shape, lambda i: tuple(0 for _ in shape))
    idsT = ids.astype(jnp.int32).T
    maskT = mask.T
    countsT = _counts_sc(idsT, maskT)
    wlT = jnp.pad(W_lin.T.astype(jnp.bfloat16), ((0, 0), (0, MP - (M + 1))))
    args = (countsT, maskT, table.T, wlT, b_lin, W1, b1, W2, b2, W3.T, b3)
    args = tuple(pltpu.with_memory_space_constraint(x, pltpu.MemorySpace.HBM)
                 for x in args)
    outT = pl.pallas_call(
        _tc_body,
        grid=(B // BB,),
        in_specs=[
            pl.BlockSpec((MP, BB), lambda i: (0, i)),
            pl.BlockSpec((L, BB), lambda i: (0, i)),
            full((E, M + 1)),
            full((M, MP)),
            full((M,)),
            full((E, H1)),
            full((H1,)),
            full((H1, H2)),
            full((H2,)),
            full((M, H2)),
            full((M,)),
        ],
        out_specs=pl.BlockSpec((M, BB), lambda i: (0, i)),
        out_shape=jax.ShapeDtypeStruct((M, B), jnp.float32),
    )(*args)
    return outT.T

# --- scband reference (transcript-rebuilt; emitter-appended) ---
"""Pipeline reference for scband-deep-fm-20040317403341 (READ-ONLY COPY).

The authoritative reference and input builder live on the scoring server;
editing this copy changes nothing except your own understanding.
"""

import jax, jax.numpy as jnp
import numpy as np

B, L = 1024, 20
M, E = 1000, 64
H1, H2 = 256, 128


def setup_inputs(seed: int = 0) -> dict:
    key = jax.random.key(seed)
    ks = jax.random.split(key, 8)
    ids = jax.random.randint(ks[0], (B, L), 0, M).astype(jnp.int64) if jax.config.jax_enable_x64 else jax.random.randint(ks[0], (B, L), 0, M)
    mask = jnp.ones((B, L), dtype=jnp.float32)
    # embedding table with one extra padding row at the end (weight[:-1] = movie embeddings)
    table = jax.random.normal(ks[1], (M + 1, E), dtype=jnp.float32) * 0.02
    table = table.at[-1].set(0.0)
    # FeaturesLinear: per-feature weight rows of width output_dim, plus bias
    W_lin = jax.random.normal(ks[2], (M + 1, M), dtype=jnp.float32) * 0.02
    b_lin = jnp.zeros((M,), dtype=jnp.float32)
    # MLP: embed_dim -> 256 -> 128 -> output_dim
    W1 = jax.random.normal(ks[3], (E, H1), dtype=jnp.float32) * (1.0 / np.sqrt(E))
    b1 = jnp.zeros((H1,), dtype=jnp.float32)
    W2 = jax.random.normal(ks[4], (H1, H2), dtype=jnp.float32) * (1.0 / np.sqrt(H1))
    b2 = jnp.zeros((H2,), dtype=jnp.float32)
    W3 = jax.random.normal(ks[5], (H2, M), dtype=jnp.float32) * (1.0 / np.sqrt(H2))
    b3 = jnp.zeros((M,), dtype=jnp.float32)
    return {"ids": ids, "mask": mask, "table": table, "W_lin": W_lin, "b_lin": b_lin,
            "W1": W1, "b1": b1, "W2": W2, "b2": b2, "W3": W3, "b3": b3}


def reference(ids, mask, table, W_lin, b_lin, W1, b1, W2, b2, W3, b3):
    # FeaturesEmbedding: gather + masked mean pooling over history -> user embedding [B, E]
    emb = jnp.take(table, ids, axis=0)                      # [B, L, E]
    denom = jnp.clip(jnp.sum(mask, axis=1, keepdims=True), 1.0, None)
    user_embeddings = jnp.sum(emb * mask[..., None], axis=1) / denom  # [B, E]
    # movie_embeddings = embedding.weight[:-1] (drop padding row)
    movie_embeddings = table[:-1]                           # [M, E]
    # FeaturesLinear: first-order term, gather per-feature weight rows and sum -> [B, M]
    lin = jnp.sum(jnp.take(W_lin, ids, axis=0) * mask[..., None], axis=1) + b_lin
    # FactorizationMachine: 2nd-order interaction between user vector and every movie vector.
    # 0.5*((u+m)^2 - u^2 - m^2) summed over dims == u . m, so this is a dot-product score per movie.
    fm = user_embeddings @ movie_embeddings.T               # [B, M]
    # MultiLayerPerceptron (dropout=0.0, eval mode)
    h = jax.nn.relu(user_embeddings @ W1 + b1)
    h = jax.nn.relu(h @ W2 + b2)
    mlp = h @ W3 + b3                                        # [B, M]
    return jax.nn.sigmoid(lin + fm + mlp)

if __name__ == "__main__":
    import jax
    _d = setup_inputs()
    print(jax.jit(kernel)(*tuple(_d.values())))

</pallas_src>

<mosaic_0001>
#map = affine_map<(d0, d1) -> (0, 0)>
module attributes {stable_mosaic.version = 14 : i64} {
  func.func @_counts_sc_body(%arg0: i32, %arg1: i32, %arg2: memref<20x1024xi32, #tpu.memory_space<hbm>>, %arg3: memref<20x1024xf32, #tpu.memory_space<hbm>>, %arg4: memref<1024x1024xf32, #tpu.memory_space<hbm>>, %arg5: memref<20x128xi32, #tpu.memory_space<vmem>>, %arg6: memref<20x128xf32, #tpu.memory_space<vmem>>, %arg7: memref<256x128xf32, #tpu.memory_space<vmem>>) attributes {dimension_semantics = [#tpu.dimension_semantics<core_parallel>, #tpu.dimension_semantics<subcore_parallel>], iteration_bounds = array<i64: 2, 16>, scalar_prefetch = 0 : i64, scratch_operands = 3 : i64, tpu.core_type = #tpu.core_type<sc_vector_subcore>, window_params = [{transform_indices = #map}, {transform_indices = #map}, {transform_indices = #map}]} {
    %mul3A = arith.constant 2 : i32
    %mul3A_0 = arith.muli %arg1, %mul3A : i32
    %add3A = arith.addi %mul3A_0, %arg0 : i32
    %jit3A = arith.constant 4 : i32
    %eq3A = arith.constant 0 : i32
    %eq3A_1 = arith.cmpi eq, %jit3A, %eq3A : i32
    %jit3A_2 = arith.constant 1 : i32
    %select_n3A = arith.select %eq3A_1, %jit3A_2, %jit3A : i32
    %rem3A = arith.remsi %add3A, %select_n3A : i32
    %ne3A = arith.constant 0 : i32
    %ne3A_3 = arith.cmpi ne, %rem3A, %ne3A : i32
    %lt3A = arith.constant 0 : i32
    %lt3A_4 = arith.cmpi slt, %rem3A, %lt3A : i32
    %lt3A_5 = arith.constant 0 : i32
    %lt3A_6 = arith.cmpi slt, %select_n3A, %lt3A_5 : i32
    %ne3A_7 = arith.xori %lt3A_4, %lt3A_6 : i1
    %and3A = arith.andi %ne3A_7, %ne3A_3 : i1
    %add3A_8 = arith.addi %rem3A, %select_n3A : i32
    %select_n3A_9 = arith.select %and3A, %add3A_8, %rem3A : i32
    %mul3A_10 = arith.constant 256 : i32
    %mul3A_11 = arith.muli %select_n3A_9, %mul3A_10 : i32
    %jit3A_12 = arith.constant 4 : i32
    %div3A = arith.divsi %add3A, %jit3A_12 : i32
    %sign3A = arith.constant 0 : i32
    %sign3A_13 = arith.cmpi sgt, %add3A, %sign3A : i32
    %sign3A_14 = arith.extui %sign3A_13 : i1 to i32
    %sign3A_15 = arith.constant 0 : i32
    %sign3A_16 = arith.cmpi slt, %add3A, %sign3A_15 : i32
    %sign3A_17 = arith.extui %sign3A_16 : i1 to i32
    %sign3A_18 = arith.subi %sign3A_14, %sign3A_17 : i32
    %sign3A_19 = arith.constant 0 : i32
    %sign3A_20 = arith.cmpi sgt, %jit3A_12, %sign3A_19 : i32
    %sign3A_21 = arith.extui %sign3A_20 : i1 to i32
    %sign3A_22 = arith.constant 0 : i32
    %sign3A_23 = arith.cmpi slt, %jit3A_12, %sign3A_22 : i32
    %sign3A_24 = arith.extui %sign3A_23 : i1 to i32
    %sign3A_25 = arith.subi %sign3A_21, %sign3A_24 : i32
    %ne3A_26 = arith.cmpi ne, %sign3A_18, %sign3A_25 : i32
    %rem3A_27 = arith.remsi %add3A, %jit3A_12 : i32
    %ne3A_28 = arith.constant 0 : i32
    %ne3A_29 = arith.cmpi ne, %rem3A_27, %ne3A_28 : i32
    %and3A_30 = arith.andi %ne3A_26, %ne3A_29 : i1
    %sub3A = arith.constant 1 : i32
    %sub3A_31 = arith.subi %div3A, %sub3A : i32
    %select_n3A_32 = arith.select %and3A_30, %sub3A_31, %div3A : i32
    %mul3A_33 = arith.constant 128 : i32
    %mul3A_34 = arith.muli %select_n3A_32, %mul3A_33 : i32
    "tpu.region"() ({
      %run_scoped3A = tpu.sem_alloc : memref<!tpu.dma_semaphore, #tpu.memory_space<semaphore_mem>>
      %dma_start3A = arith.constant 0 : i32
      %dma_start3A_49 = tpu.memref_slice %arg2[%dma_start3A, %mul3A_34] : memref<20x1024xi32, #tpu.memory_space<hbm>> -> memref<20x128xi32, #tpu.memory_space<hbm>>
      %dma_start3A_50 = arith.constant 0 : i32
      %dma_start3A_51 = tpu.memref_slice %arg2[%dma_start3A_50, %mul3A_34] : memref<20x1024xi32, #tpu.memory_space<hbm>> -> memref<20x128xi32, #tpu.memory_space<hbm>>
      tpu.enqueue_dma source(%dma_start3A_51 : memref<20x128xi32, #tpu.memory_space<hbm>>) target(%arg5 : memref<20x128xi32, #tpu.memory_space<vmem>>) target_semaphore(%run_scoped3A : memref<!tpu.dma_semaphore, #tpu.memory_space<semaphore_mem>>)
      %dma_wait3A = arith.constant 0 : i32
      %dma_wait3A_52 = tpu.memref_slice %arg2[%dma_wait3A, %mul3A_34] : memref<20x1024xi32, #tpu.memory_space<hbm>> -> memref<20x128xi32, #tpu.memory_space<hbm>>
      %dma_wait3A_53 = arith.constant 0 : i32
      %dma_wait3A_54 = tpu.memref_slice %arg2[%dma_wait3A_53, %mul3A_34] : memref<20x1024xi32, #tpu.memory_space<hbm>> -> memref<20x128xi32, #tpu.memory_space<hbm>>
      tpu.wait_dma2 semaphore(%run_scoped3A : memref<!tpu.dma_semaphore, #tpu.memory_space<semaphore_mem>>) src(%dma_wait3A_54 : memref<20x128xi32, #tpu.memory_space<hbm>>) dst(%arg5 : memref<20x128xi32, #tpu.memory_space<vmem>>)
      tpu.yield
    }) : () -> ()
    "tpu.region"() ({
      %run_scoped3A = tpu.sem_alloc : memref<!tpu.dma_semaphore, #tpu.memory_space<semaphore_mem>>
      %dma_start3A = arith.constant 0 : i32
      %dma_start3A_49 = tpu.memref_slice %arg3[%dma_start3A, %mul3A_34] : memref<20x1024xf32, #tpu.memory_space<hbm>> -> memref<20x128xf32, #tpu.memory_space<hbm>>
      %dma_start3A_50 = arith.constant 0 : i32
      %dma_start3A_51 = tpu.memref_slice %arg3[%dma_start3A_50, %mul3A_34] : memref<20x1024xf32, #tpu.memory_space<hbm>> -> memref<20x128xf32, #tpu.memory_space<hbm>>
      tpu.enqueue_dma source(%dma_start3A_51 : memref<20x128xf32, #tpu.memory_space<hbm>>) target(%arg6 : memref<20x128xf32, #tpu.memory_space<vmem>>) target_semaphore(%run_scoped3A : memref<!tpu.dma_semaphore, #tpu.memory_space<semaphore_mem>>)
      %dma_wait3A = arith.constant 0 : i32
      %dma_wait3A_52 = tpu.memref_slice %arg3[%dma_wait3A, %mul3A_34] : memref<20x1024xf32, #tpu.memory_space<hbm>> -> memref<20x128xf32, #tpu.memory_space<hbm>>
      %dma_wait3A_53 = arith.constant 0 : i32
      %dma_wait3A_54 = tpu.memref_slice %arg3[%dma_wait3A_53, %mul3A_34] : memref<20x1024xf32, #tpu.memory_space<hbm>> -> memref<20x128xf32, #tpu.memory_space<hbm>>
      tpu.wait_dma2 semaphore(%run_scoped3A : memref<!tpu.dma_semaphore, #tpu.memory_space<semaphore_mem>>) src(%dma_wait3A_54 : memref<20x128xf32, #tpu.memory_space<hbm>>) dst(%arg6 : memref<20x128xf32, #tpu.memory_space<vmem>>)
      tpu.yield
    }) : () -> ()
    %broadcast_in_dim3A = arith.constant 0.000000e+00 : f32
    %broadcast_in_dim3A_35 = vector.broadcast %broadcast_in_dim3A : f32 to vector<16xf32>
    %scan3A = arith.constant 0 : i32
    %scan3A_36 = arith.constant 0 : i32
    %scan3A_37 = arith.constant 16 : i32
    %scan3A_38 = arith.addi %scan3A_36, %scan3A_37 : i32
    %scan3A_39 = arith.constant 1 : i32
    %scan3A_40 = scf.for %scan3A_49 = %scan3A_36 to %scan3A_38 step %scan3A_39 iter_args(%scan3A_50 = %scan3A) -> (i32)  : i32 {
      %mul3A_51 = arith.constant 16 : i32
      %mul3A_52 = arith.muli %scan3A_49, %mul3A_51 : i32
      %add3A_53 = arith.constant 0 : i32
      %add3A_54 = arith.addi %mul3A_52, %add3A_53 : i32
      %swap3A = arith.index_cast %add3A_54 : i32 to index
      %swap3A_55 = arith.constant 0 : index
      %swap3A_56 = tpu.vector_load %arg7[%swap3A, %swap3A_55] {strides = array<i32>} : memref<256x128xf32, #tpu.memory_space<vmem>>, vector<16xf32>,
      tpu.vector_store %arg7[%swap3A, %swap3A_55], %broadcast_in_dim3A_35 {strides = array<i32>} : memref<256x128xf32, #tpu.memory_space<vmem>>, vector<16xf32>,
      %add3A_57 = arith.constant 0 : i32
      %add3A_58 = arith.addi %mul3A_52, %add3A_57 : i32
      %swap3A_59 = arith.index_cast %add3A_58 : i32 to index
      %swap3A_60 = arith.constant 16 : index
      %swap3A_61 = tpu.vector_load %arg7[%swap3A_59, %swap3A_60] {strides = array<i32>} : memref<256x128xf32, #tpu.memory_space<vmem>>, vector<16xf32>,
      tpu.vector_store %arg7[%swap3A_59, %swap3A_60], %broadcast_in_dim3A_35 {strides = array<i32>} : memref<256x128xf32, #tpu.memory_space<vmem>>, vector<16xf32>,
      %add3A_62 = arith.constant 0 : i32
      %add3A_63 = arith.addi %mul3A_52, %add3A_62 : i32
      %swap3A_64 = arith.index_cast %add3A_63 : i32 to index
      %swap3A_65 = arith.constant 32 : index
      %swap3A_66 = tpu.vector_load %arg7[%swap3A_64, %swap3A_65] {strides = array<i32>} : memref<256x128xf32, #tpu.memory_space<vmem>>, vector<16xf32>,
      tpu.vector_store %arg7[%swap3A_64, %swap3A_65], %broadcast_in_dim3A_35 {strides = array<i32>} : memref<256x128xf32, #tpu.memory_space<vmem>>, vector<16xf32>,
      %add3A_67 = arith.constant 0 : i32
      %add3A_68 = arith.addi %mul3A_52, %add3A_67 : i32
      %swap3A_69 = arith.index_cast %add3A_68 : i32 to index
      %swap3A_70 = arith.constant 48 : index
      %swap3A_71 = tpu.vector_load %arg7[%swap3A_69, %swap3A_70] {strides = array<i32>} : memref<256x128xf32, #tpu.memory_space<vmem>>, vector<16xf32>,
      tpu.vector_store %arg7[%swap3A_69, %swap3A_70], %broadcast_in_dim3A_35 {strides = array<i32>} : memref<256x128xf32, #tpu.memory_space<vmem>>, vector<16xf32>,
      %add3A_72 = arith.constant 0 : i32
      %add3A_73 = arith.addi %mul3A_52, %add3A_72 : i32
      %swap3A_74 = arith.index_cast %add3A_73 : i32 to index
      %swap3A_75 = arith.constant 64 : index
      %swap3A_76 = tpu.vector_load %arg7[%swap3A_74, %swap3A_75] {strides = array<i32>} : memref<256x128xf32, #tpu.memory_space<vmem>>, vector<16xf32>,
      tpu.vector_store %arg7[%swap3A_74, %swap3A_75], %broadcast_in_dim3A_35 {strides = array<i32>} : memref<256x128xf32, #tpu.memory_space<vmem>>, vector<16xf32>,
      %add3A_77 = arith.constant 0 : i32
      %add3A_78 = arith.addi %mul3A_52, %add3A_77 : i32
      %swap3A_79 = arith.index_cast %add3A_78 : i32 to index
      %swap3A_80 = arith.constant 80 : index
      %swap3A_81 = tpu.vector_load %arg7[%swap3A_79, %swap3A_80] {strides = array<i32>} : memref<256x128xf32, #tpu.memory_space<vmem>>, vector<16xf32>,
      tpu.vector_store %arg7[%swap3A_79, %swap3A_80], %broadcast_in_dim3A_35 {strides = array<i32>} : memref<256x128xf32, #tpu.memory_space<vmem>>, vector<16xf32>,
      %add3A_82 = arith.constant 0 : i32
      %add3A_83 = arith.addi %mul3A_52, %add3A_82 : i32
      %swap3A_84 = arith.index_cast %add3A_83 : i32 to index
      %swap3A_85 = arith.constant 96 : index
      %swap3A_86 = tpu.vector_load %arg7[%swap3A_84, %swap3A_85] {strides = array<i32>} : memref<256x128xf32, #tpu.memory_space<vmem>>, vector<16xf32>,
      tpu.vector_store %arg7[%swap3A_84, %swap3A_85], %broadcast_in_dim3A_35 {strides = array<i32>} : memref<256x128xf32, #tpu.memory_space<vmem>>, vector<16xf32>,
      %add3A_87 = arith.constant 0 : i32
      %add3A_88 = arith.addi %mul3A_52, %add3A_87 : i32
      %swap3A_89 = arith.index_cast %add3A_88 : i32 to index
      %swap3A_90 = arith.constant 112 : index
      %swap3A_91 = tpu.vector_load %arg7[%swap3A_89, %swap3A_90] {strides = array<i32>} : memref<256x128xf32, #tpu.memory_space<vmem>>, vector<16xf32>,
      tpu.vector_store %arg7[%swap3A_89, %swap3A_90], %broadcast_in_dim3A_35 {strides = array<i32>} : memref<256x128xf32, #tpu.memory_space<vmem>>, vector<16xf32>,
      %add3A_92 = arith.constant 1 : i32
      %add3A_93 = arith.addi %mul3A_52, %add3A_92 : i32
      %swap3A_94 = arith.index_cast %add3A_93 : i32 to index
      %swap3A_95 = arith.constant 0 : index
      %swap3A_96 = tpu.vector_load %arg7[%swap3A_94, %swap3A_95] {strides = array<i32>} : memref<256x128xf32, #tpu.memory_space<vmem>>, vector<16xf32>,
      tpu.vector_store %arg7[%swap3A_94, %swap3A_95], %broadcast_in_dim3A_35 {strides = array<i32>} : memref<256x128xf32, #tpu.memory_space<vmem>>, vector<16xf32>,
      %add3A_97 = arith.constant 1 : i32
      %add3A_98 = arith.addi %mul3A_52, %add3A_97 : i32
      %swap3A_99 = arith.index_cast %add3A_98 : i32 to index
      %swap3A_100 = arith.constant 16 : index
      %swap3A_101 = tpu.vector_load %arg7[%swap3A_99, %swap3A_100] {strides = array<i32>} : memref<256x128xf32, #tpu.memory_space<vmem>>, vector<16xf32>,
      tpu.vector_store %arg7[%swap3A_99, %swap3A_100], %broadcast_in_dim3A_35 {strides = array<i32>} : memref<256x128xf32, #tpu.memory_space<vmem>>, vector<16xf32>,
      %add3A_102 = arith.constant 1 : i32
      %add3A_103 = arith.addi %mul3A_52, %add3A_102 : i32
      %swap3A_104 = arith.index_cast %add3A_103 : i32 to index
      %swap3A_105 = arith.constant 32 : index
      %swap3A_106 = tpu.vector_load %arg7[%swap3A_104, %swap3A_105] {strides = array<i32>} : memref<256x128xf32, #tpu.memory_space<vmem>>, vector<16xf32>,
      tpu.vector_store %arg7[%swap3A_104, %swap3A_105], %broadcast_in_dim3A_35 {strides = array<i32>} : memref<256x128xf32, #tpu.memory_space<vmem>>, vector<16xf32>,
      %add3A_107 = arith.constant 1 : i32
      %add3A_108 = arith.addi %mul3A_52, %add3A_107 : i32
      %swap3A_109 = arith.index_cast %add3A_108 : i32 to index
      %swap3A_110 = arith.constant 48 : index
      %swap3A_111 = tpu.vector_load %arg7[%swap3A_109, %swap3A_110] {strides = array<i32>} : memref<256x128xf32, #tpu.memory_space<vmem>>, vector<16xf32>,
      tpu.vector_store %arg7[%swap3A_109, %swap3A_110], %broadcast_in_dim3A_35 {strides = array<i32>} : memref<256x128xf32, #tpu.memory_space<vmem>>, vector<16xf32>,
      %add3A_112 = arith.constant 1 : i32
      %add3A_113 = arith.addi %mul3A_52, %add3A_112 : i32
      %swap3A_114 = arith.index_cast %add3A_113 : i32 to index
      %swap3A_115 = arith.constant 64 : index
      %swap3A_116 = tpu.vector_load %arg7[%swap3A_114, %swap3A_115] {strides = array<i32>} : memref<256x128xf32, #tpu.memory_space<vmem>>, vector<16xf32>,
      tpu.vector_store %arg7[%swap3A_114, %swap3A_115], %broadcast_in_dim3A_35 {strides = array<i32>} : memref<256x128xf32, #tpu.memory_space<vmem>>, vector<16xf32>,
      %add3A_117 = arith.constant 1 : i32
      %add3A_118 = arith.addi %mul3A_52, %add3A_117 : i32
      %swap3A_119 = arith.index_cast %add3A_118 : i32 to index
      %swap3A_120 = arith.constant 80 : index
      %swap3A_121 = tpu.vector_load %arg7[%swap3A_119, %swap3A_120] {strides = array<i32>} : memref<256x128xf32, #tpu.memory_space<vmem>>, vector<16xf32>,
      tpu.vector_store %arg7[%swap3A_119, %swap3A_120], %broadcast_in_dim3A_35 {strides = array<i32>} : memref<256x128xf32, #tpu.memory_space<vmem>>, vector<16xf32>,
      %add3A_122 = arith.constant 1 : i32
      %add3A_123 = arith.addi %mul3A_52, %add3A_122 : i32
      %swap3A_124 = arith.index_cast %add3A_123 : i32 to index
      %swap3A_125 = arith.constant 96 : index
      %swap3A_126 = tpu.vector_load %arg7[%swap3A_124, %swap3A_125] {strides = array<i32>} : memref<256x128xf32, #tpu.memory_space<vmem>>, vector<16xf32>,
      tpu.vector_store %arg7[%swap3A_124, %swap3A_125], %broadcast_in_dim3A_35 {strides = array<i32>} : memref<256x128xf32, #tpu.memory_space<vmem>>, vector<16xf32>,
      %add3A_127 = arith.constant 1 : i32
      %add3A_128 = arith.addi %mul3A_52, %add3A_127 : i32
      %swap3A_129 = arith.index_cast %add3A_128 : i32 to index
      %swap3A_130 = arith.constant 112 : index
      %swap3A_131 = tpu.vector_load %arg7[%swap3A_129, %swap3A_130] {strides = array<i32>} : memref<256x128xf32, #tpu.memory_space<vmem>>, vector<16xf32>,
      tpu.vector_store %arg7[%swap3A_129, %swap3A_130], %broadcast_in_dim3A_35 {strides = array<i32>} : memref<256x128xf32, #tpu.memory_space<vmem>>, vector<16xf32>,
      %add3A_132 = arith.constant 2 : i32
      %add3A_133 = arith.addi %mul3A_52, %add3A_132 : i32
      %swap3A_134 = arith.index_cast %add3A_133 : i32 to index
      %swap3A_135 = arith.constant 0 : index
      %swap3A_136 = tpu.vector_load %arg7[%swap3A_134, %swap3A_135] {strides = array<i32>} : memref<256x128xf32, #tpu.memory_space<vmem>>, vector<16xf32>,
      tpu.vector_store %arg7[%swap3A_134, %swap3A_135], %broadcast_in_dim3A_35 {strides = array<i32>} : memref<256x128xf32, #tpu.memory_space<vmem>>, vector<16xf32>,
      %add3A_137 = arith.constant 2 : i32
      %add3A_138 = arith.addi %mul3A_52, %add3A_137 : i32
      %swap3A_139 = arith.index_cast %add3A_138 : i32 to index
      %swap3A_140 = arith.constant 16 : index
      %swap3A_141 = tpu.vector_load %arg7[%swap3A_139, %swap3A_140] {strides = array<i32>} : memref<256x128xf32, #tpu.memory_space<vmem>>, vector<16xf32>,
      tpu.vector_store %arg7[%swap3A_139, %swap3A_140], %broadcast_in_dim3A_35 {strides = array<i32>} : memref<256x128xf32, #tpu.memory_space<vmem>>, vector<16xf32>,
      %add3A_142 = arith.constant 2 : i32
      %add3A_143 = arith.addi %mul3A_52, %add3A_142 : i32
      %swap3A_144 = arith.index_cast %add3A_143 : i32 to index
      %swap3A_145 = arith.constant 32 : index
      %swap3A_146 = tpu.vector_load %arg7[%swap3A_144, %swap3A_145] {strides = array<i32>} : memref<256x128xf32, #tpu.memory_space<vmem>>, vector<16xf32>,
      tpu.vector_store %arg7[%swap3A_144, %swap3A_145], %broadcast_in_dim3A_35 {strides = array<i32>} : memref<256x128xf32, #tpu.memory_space<vmem>>, vector<16xf32>,
      %add3A_147 = arith.constant 2 : i32
      %add3A_148 = arith.addi %mul3A_52, %add3A_147 : i32
      %swap3A_149 = arith.index_cast %add3A_148 : i32 to index
      %swap3A_150 = arith.constant 48 : index
      %swap3A_151 = tpu.vector_load %arg7[%swap3A_149, %swap3A_150] {strides = array<i32>} : memref<256x128xf32, #tpu.memory_space<vmem>>, vector<16xf32>,
      tpu.vector_store %arg7[%swap3A_149, %swap3A_150], %broadcast_in_dim3A_35 {strides = array<i32>} : memref<256x128xf32, #tpu.memory_space<vmem>>, vector<16xf32>,
      %add3A_152 = arith.constant 2 : i32
      %add3A_153 = arith.addi %mul3A_52, %add3A_152 : i32
      %swap3A_154 = arith.index_cast %add3A_153 : i32 to index
      %swap3A_155 = arith.constant 64 : index
      %swap3A_156 = tpu.vector_load %arg7[%swap3A_154, %swap3A_155] {strides = array<i32>} : memref<256x128xf32, #tpu.memory_space<vmem>>, vector<16xf32>,
      tpu.vector_store %arg7[%swap3A_154, %swap3A_155], %broadcast_in_dim3A_35 {strides = array<i32>} : memref<256x128xf32, #tpu.memory_space<vmem>>, vector<16xf32>,
      %add3A_157 = arith.constant 2 : i32
      %add3A_158 = arith.addi %mul3A_52, %add3A_157 : i32
      %swap3A_159 = arith.index_cast %add3A_158 : i32 to index
      %swap3A_160 = arith.constant 80 : index
      %swap3A_161 = tpu.vector_load %arg7[%swap3A_159, %swap3A_160] {strides = array<i32>} : memref<256x128xf32, #tpu.memory_space<vmem>>, vector<16xf32>,
      tpu.vector_store %arg7[%swap3A_159, %swap3A_160], %broadcast_in_dim3A_35 {strides = array<i32>} : memref<256x128xf32, #tpu.memory_space<vmem>>, vector<16xf32>,
      %add3A_162 = arith.constant 2 : i32
      %add3A_163 = arith.addi %mul3A_52, %add3A_162 : i32
      %swap3A_164 = arith.index_cast %add3A_163 : i32 to index
      %swap3A_165 = arith.constant 96 : index
      %swap3A_166 = tpu.vector_load %arg7[%swap3A_164, %swap3A_165] {strides = array<i32>} : memref<256x128xf32, #tpu.memory_space<vmem>>, vector<16xf32>,
      tpu.vector_store %arg7[%swap3A_164, %swap3A_165], %broadcast_in_dim3A_35 {strides = array<i32>} : memref<256x128xf32, #tpu.memory_space<vmem>>, vector<16xf32>,
      %add3A_167 = arith.constant 2 : i32
      %add3A_168 = arith.addi %mul3A_52, %add3A_167 : i32
      %swap3A_169 = arith.index_cast %add3A_168 : i32 to index
      %swap3A_170 = arith.constant 112 : index
      %swap3A_171 = tpu.vector_load %arg7[%swap3A_169, %swap3A_170] {strides = array<i32>} : memref<256x128xf32, #tpu.memory_space<vmem>>, vector<16xf32>,
      tpu.vector_store %arg7[%swap3A_169, %swap3A_170], %broadcast_in_dim3A_35 {strides = array<i32>} : memref<256x128xf32, #tpu.memory_space<vmem>>, vector<16xf32>,
      %add3A_172 = arith.constant 3 : i32
      %add3A_173 = arith.addi %mul3A_52, %add3A_172 : i32
      %swap3A_174 = arith.index_cast %add3A_173 : i32 to index
      %swap3A_175 = arith.constant 0 : index
      %swap3A_176 = tpu.vector_load %arg7[%swap3A_174, %swap3A_175] {strides = array<i32>} : memref<256x128xf32, #tpu.memory_space<vmem>>, vector<16xf32>,
      tpu.vector_store %arg7[%swap3A_174, %swap3A_175], %broadcast_in_dim3A_35 {strides = array<i32>} : memref<256x128xf32, #tpu.memory_space<vmem>>, vector<16xf32>,
      %add3A_177 = arith.constant 3 : i32
      %add3A_178 = arith.addi %mul3A_52, %add3A_177 : i32
      %swap3A_179 = arith.index_cast %add3A_178 : i32 to index
      %swap3A_180 = arith.constant 16 : index
      %swap3A_181 = tpu.vector_load %arg7[%swap3A_179, %swap3A_180] {strides = array<i32>} : memref<256x128xf32, #tpu.memory_space<vmem>>, vector<16xf32>,
      tpu.vector_store %arg7[%swap3A_179, %swap3A_180], %broadcast_in_dim3A_35 {strides = array<i32>} : memref<256x128xf32, #tpu.memory_space<vmem>>, vector<16xf32>,
      %add3A_182 = arith.constant 3 : i32
      %add3A_183 = arith.addi %mul3A_52, %add3A_182 : i32
      %swap3A_184 = arith.index_cast %add3A_183 : i32 to index
      %swap3A_185 = arith.constant 32 : index
      %swap3A_186 = tpu.vector_load %arg7[%swap3A_184, %swap3A_185] {strides = array<i32>} : memref<256x128xf32, #tpu.memory_space<vmem>>, vector<16xf32>,
      tpu.vector_store %arg7[%swap3A_184, %swap3A_185], %broadcast_in_dim3A_35 {strides = array<i32>} : memref<256x128xf32, #tpu.memory_space<vmem>>, vector<16xf32>,
      %add3A_187 = arith.constant 3 : i32
      %add3A_188 = arith.addi %mul3A_52, %add3A_187 : i32
      %swap3A_189 = arith.index_cast %add3A_188 : i32 to index
      %swap3A_190 = arith.constant 48 : index
      %swap3A_191 = tpu.vector_load %arg7[%swap3A_189, %swap3A_190] {strides = array<i32>} : memref<256x128xf32, #tpu.memory_space<vmem>>, vector<16xf32>,
      tpu.vector_store %arg7[%swap3A_189, %swap3A_190], %broadcast_in_dim3A_35 {strides = array<i32>} : memref<256x128xf32, #tpu.memory_space<vmem>>, vector<16xf32>,
      %add3A_192 = arith.constant 3 : i32
      %add3A_193 = arith.addi %mul3A_52, %add3A_192 : i32
      %swap3A_194 = arith.index_cast %add3A_193 : i32 to index
      %swap3A_195 = arith.constant 64 : index
      %swap3A_196 = tpu.vector_load %arg7[%swap3A_194, %swap3A_195] {strides = array<i32>} : memref<256x128xf32, #tpu.memory_space<vmem>>, vector<16xf32>,
      tpu.vector_store %arg7[%swap3A_194, %swap3A_195], %broadcast_in_dim3A_35 {strides = array<i32>} : memref<256x128xf32, #tpu.memory_space<vmem>>, vector<16xf32>,
      %add3A_197 = arith.constant 3 : i32
      %add3A_198 = arith.addi %mul3A_52, %add3A_197 : i32
      %swap3A_199 = arith.index_cast %add3A_198 : i32 to index
      %swap3A_200 = arith.constant 80 : index
      %swap3A_201 = tpu.vector_load %arg7[%swap3A_199, %swap3A_200] {strides = array<i32>} : memref<256x128xf32, #tpu.memory_space<vmem>>, vector<16xf32>,
      tpu.vector_store %arg7[%swap3A_199, %swap3A_200], %broadcast_in_dim3A_35 {strides = array<i32>} : memref<256x128xf32, #tpu.memory_space<vmem>>, vector<16xf32>,
      %add3A_202 = arith.constant 3 : i32
      %add3A_203 = arith.addi %mul3A_52, %add3A_202 : i32
      %swap3A_204 = arith.index_cast %add3A_203 : i32 to index
      %swap3A_205 = arith.constant 96 : index
      %swap3A_206 = tpu.vector_load %arg7[%swap3A_204, %swap3A_205] {strides = array<i32>} : memref<256x128xf32, #tpu.memory_space<vmem>>, vector<16xf32>,
      tpu.vector_store %arg7[%swap3A_204, %swap3A_205], %broadcast_in_dim3A_35 {strides = array<i32>} : memref<256x128xf32, #tpu.memory_space<vmem>>, vector<16xf32>,
      %add3A_207 = arith.constant 3 : i32
      %add3A_208 = arith.addi %mul3A_52, %add3A_207 : i32
      %swap3A_209 = arith.index_cast %add3A_208 : i32 to index
      %swap3A_210 = arith.constant 112 : index
      %swap3A_211 = tpu.vector_load %arg7[%swap3A_209, %swap3A_210] {strides = array<i32>} : memref<256x128xf32, #tpu.memory_space<vmem>>, vector<16xf32>,
      tpu.vector_store %arg7[%swap3A_209, %swap3A_210], %broadcast_in_dim3A_35 {strides = array<i32>} : memref<256x128xf32, #tpu.memory_space<vmem>>, vector<16xf32>,
      %add3A_212 = arith.constant 4 : i32
      %add3A_213 = arith.addi %mul3A_52, %add3A_212 : i32
      %swap3A_214 = arith.index_cast %add3A_213 : i32 to index
      %swap3A_215 = arith.constant 0 : index
      %swap3A_216 = tpu.vector_load %arg7[%swap3A_214, %swap3A_215] {strides = array<i32>} : memref<256x128xf32, #tpu.memory_space<vmem>>, vector<16xf32>,
      tpu.vector_store %arg7[%swap3A_214, %swap3A_215], %broadcast_in_dim3A_35 {strides = array<i32>} : memref<256x128xf32, #tpu.memory_space<vmem>>, vector<16xf32>,
      %add3A_217 = arith.constant 4 : i32
      %add3A_218 = arith.addi %mul3A_52, %add3A_217 : i32
      %swap3A_219 = arith.index_cast %add3A_218 : i32 to index
      %swap3A_220 = arith.constant 16 : index
      %swap3A_221 = tpu.vector_load %arg7[%swap3A_219, %swap3A_220] {strides = array<i32>} : memref<256x128xf32, #tpu.memory_space<vmem>>, vector<16xf32>,
      tpu.vector_store %arg7[%swap3A_219, %swap3A_220], %broadcast_in_dim3A_35 {strides = array<i32>} : memref<256x128xf32, #tpu.memory_space<vmem>>, vector<16xf32>,
      %add3A_222 = arith.constant 4 : i32
      %add3A_223 = arith.addi %mul3A_52, %add3A_222 : i32
      %swap3A_224 = arith.index_cast %add3A_223 : i32 to index
      %swap3A_225 = arith.constant 32 : index
      %swap3A_226 = tpu.vector_load %arg7[%swap3A_224, %swap3A_225] {strides = array<i32>} : memref<256x128xf32, #tpu.memory_space<vmem>>, vector<16xf32>,
      tpu.vector_store %arg7[%swap3A_224, %swap3A_225], %broadcast_in_dim3A_35 {strides = array<i32>} : memref<256x128xf32, #tpu.memory_space<vmem>>, vector<16xf32>,
      %add3A_227 = arith.constant 4 : i32
      %add3A_228 = arith.addi %mul3A_52, %add3A_227 : i32
      %swap3A_229 = arith.index_cast %add3A_228 : i32 to index
      %swap3A_230 = arith.constant 48 : index
      %swap3A_231 = tpu.vector_load %arg7[%swap3A_229, %swap3A_230] {strides = array<i32>} : memref<256x128xf32, #tpu.memory_space<vmem>>, vector<16xf32>,
      tpu.vector_store %arg7[%swap3A_229, %swap3A_230], %broadcast_in_dim3A_35 {strides = array<i32>} : memref<256x128xf32, #tpu.memory_space<vmem>>, vector<16xf32>,
      %add3A_232 = arith.constant 4 : i32
      %add3A_233 = arith.addi %mul3A_52, %add3A_232 : i32
      %swap3A_234 = arith.index_cast %add3A_233 : i32 to index
      %swap3A_235 = arith.constant 64 : index
      %swap3A_236 = tpu.vector_load %arg7[%swap3A_234, %swap3A_235] {strides = array<i32>} : memref<256x128xf32, #tpu.memory_space<vmem>>, vector<16xf32>,
      tpu.vector_store %arg7[%swap3A_234, %swap3A_235], %broadcast_in_dim3A_35 {strides = array<i32>} : memref<256x128xf32, #tpu.memory_space<vmem>>, vector<16xf32>,
      %add3A_237 = arith.constant 4 : i32
      %add3A_238 = arith.addi %mul3A_52, %add3A_237 : i32
      %swap3A_239 = arith.index_cast %add3A_238 : i32 to index
      %swap3A_240 = arith.constant 80 : index
      %swap3A_241 = tpu.vector_load %arg7[%swap3A_239, %swap3A_240] {strides = array<i32>} : memref<256x128xf32, #tpu.memory_space<vmem>>, vector<16xf32>,
      tpu.vector_store %arg7[%swap3A_239, %swap3A_240], %broadcast_in_dim3A_35 {strides = array<i32>} : memref<256x128xf32, #tpu.memory_space<vmem>>, vector<16xf32>,
      %add3A_242 = arith.constant 4 : i32
      %add3A_243 = arith.addi %mul3A_52, %add3A_242 : i32
      %swap3A_244 = arith.index_cast %add3A_243 : i32 to index
      %swap3A_245 = arith.constant 96 : index
      %swap3A_246 = tpu.vector_load %arg7[%swap3A_244, %swap3A_245] {strides = array<i32>} : memref<256x128xf32, #tpu.memory_space<vmem>>, vector<16xf32>,
      tpu.vector_store %arg7[%swap3A_244, %swap3A_245], %broadcast_in_dim3A_35 {strides = array<i32>} : memref<256x128xf32, #tpu.memory_space<vmem>>, vector<16xf32>,
      %add3A_247 = arith.constant 4 : i32
      %add3A_248 = arith.addi %mul3A_52, %add3A_247 : i32
      %swap3A_249 = arith.index_cast %add3A_248 : i32 to index
      %swap3A_250 = arith.constant 112 : index
      %swap3A_251 = tpu.vector_load %arg7[%swap3A_249, %swap3A_250] {strides = array<i32>} : memref<256x128xf32, #tpu.memory_space<vmem>>, vector<16xf32>,
      tpu.vector_store %arg7[%swap3A_249, %swap3A_250], %broadcast_in_dim3A_35 {strides = array<i32>} : memref<256x128xf32, #tpu.memory_space<vmem>>, vector<16xf32>,
      %add3A_252 = arith.constant 5 : i32
      %add3A_253 = arith.addi %mul3A_52, %add3A_252 : i32
      %swap3A_254 = arith.index_cast %add3A_253 : i32 to index
      %swap3A_255 = arith.constant 0 : index
      %swap3A_256 = tpu.vector_load %arg7[%swap3A_254, %swap3A_255] {strides = array<i32>} : memref<256x128xf32, #tpu.memory_space<vmem>>, vector<16xf32>,
      tpu.vector_store %arg7[%swap3A_254, %swap3A_255], %broadcast_in_dim3A_35 {strides = array<i32>} : memref<256x128xf32, #tpu.memory_space<vmem>>, vector<16xf32>,
      %add3A_257 = arith.constant 5 : i32
      %add3A_258 = arith.addi %mul3A_52, %add3A_257 : i32
      %swap3A_259 = arith.index_cast %add3A_258 : i32 to index
      %swap3A_260 = arith.constant 16 : index
      %swap3A_261 = tpu.vector_load %arg7[%swap3A_259, %swap3A_260] {strides = array<i32>} : memref<256x128xf32, #tpu.memory_space<vmem>>, vector<16xf32>,
      tpu.vector_store %arg7[%swap3A_259, %swap3A_260], %broadcast_in_dim3A_35 {strides = array<i32>} : memref<256x128xf32, #tpu.memory_space<vmem>>, vector<16xf32>,
      %add3A_262 = arith.constant 5 : i32
      %add3A_263 = arith.addi %mul3A_52, %add3A_262 : i32
      %swap3A_264 = arith.index_cast %add3A_263 : i32 to index
      %swap3A_265 = arith.constant 32 : index
      %swap3A_266 = tpu.vector_load %arg7[%swap3A_264, %swap3A_265] {strides = array<i32>} : memref<256x128xf32, #tpu.memory_space<vmem>>, vector<16xf32>,
      tpu.vector_store %arg7[%swap3A_264, %swap3A_265], %broadcast_in_dim3A_35 {strides = array<i32>} : memref<256x128xf32, #tpu.memory_space<vmem>>, vector<16xf32>,
      %add3A_267 = arith.constant 5 : i32
      %add3A_268 = arith.addi %mul3A_52, %add3A_267 : i32
      %swap3A_269 = arith.index_cast %add3A_268 : i32 to index
      %swap3A_270 = arith.constant 48 : index
      %swap3A_271 = tpu.vector_load %arg7[%swap3A_269, %swap3A_270] {strides = array<i32>} : memref<256x128xf32, #tpu.memory_space<vmem>>, vector<16xf32>,
      tpu.vector_store %arg7[%swap3A_269, %swap3A_270], %broadcast_in_dim3A_35 {strides = array<i32>} : memref<256x128xf32, #tpu.memory_space<vmem>>, vector<16xf32>,
      %add3A_272 = arith.constant 5 : i32
      %add3A_273 = arith.addi %mul3A_52, %add3A_272 : i32
      %swap3A_274 = arith.index_cast %add3A_273 : i32 to index
      %swap3A_275 = arith.constant 64 : index
      %swap3A_276 = tpu.vector_load %arg7[%swap3A_274, %swap3A_275] {strides = array<i32>} : memref<256x128xf32, #tpu.memory_space<vmem>>, vector<16xf32>,
      tpu.vector_store %arg7[%swap3A_274, %swap3A_275], %broadcast_in_dim3A_35 {strides = array<i32>} : memref<256x128xf32, #tpu.memory_space<vmem>>, vector<16xf32>,
      %add3A_277 = arith.constant 5 : i32
      %add3A_278 = arith.addi %mul3A_52, %add3A_277 : i32
      %swap3A_279 = arith.index_cast %add3A_278 : i32 to index
      %swap3A_280 = arith.constant 80 : index
      %swap3A_281 = tpu.vector_load %arg7[%swap3A_279, %swap3A_280] {strides = array<i32>} : memref<256x128xf32, #tpu.memory_space<vmem>>, vector<16xf32>,
      tpu.vector_store %arg7[%swap3A_279, %swap3A_280], %broadcast_in_dim3A_35 {strides = array<i32>} : memref<256x128xf32, #tpu.memory_space<vmem>>, vector<16xf32>,
      %add3A_282 = arith.constant 5 : i32
      %add3A_283 = arith.addi %mul3A_52, %add3A_282 : i32
      %swap3A_284 = arith.index_cast %add3A_283 : i32 to index
      %swap3A_285 = arith.constant 96 : index
      %swap3A_286 = tpu.vector_load %arg7[%swap3A_284, %swap3A_285] {strides = array<i32>} : memref<256x128xf32, #tpu.memory_space<vmem>>, vector<16xf32>,
      tpu.vector_store %arg7[%swap3A_284, %swap3A_285], %broadcast_in_dim3A_35 {strides = array<i32>} : memref<256x128xf32, #tpu.memory_space<vmem>>, vector<16xf32>,
      %add3A_287 = arith.constant 5 : i32
      %add3A_288 = arith.addi %mul3A_52, %add3A_287 : i32
      %swap3A_289 = arith.index_cast %add3A_288 : i32 to index
      %swap3A_290 = arith.constant 112 : index
      %swap3A_291 = tpu.vector_load %arg7[%swap3A_289, %swap3A_290] {strides = array<i32>} : memref<256x128xf32, #tpu.memory_space<vmem>>, vector<16xf32>,
      tpu.vector_store %arg7[%swap3A_289, %swap3A_290], %broadcast_in_dim3A_35 {strides = array<i32>} : memref<256x128xf32, #tpu.memory_space<vmem>>, vector<16xf32>,
      %add3A_292 = arith.constant 6 : i32
      %add3A_293 = arith.addi %mul3A_52, %add3A_292 : i32
      %swap3A_294 = arith.index_cast %add3A_293 : i32 to index
      %swap3A_295 = arith.constant 0 : index
      %swap3A_296 = tpu.vector_load %arg7[%swap3A_294, %swap3A_295] {strides = array<i32>} : memref<256x128xf32, #tpu.memory_space<vmem>>, vector<16xf32>,
      tpu.vector_store %arg7[%swap3A_294, %swap3A_295], %broadcast_in_dim3A_35 {strides = array<i32>} : memref<256x128xf32, #tpu.memory_space<vmem>>, vector<16xf32>,
      %add3A_297 = arith.constant 6 : i32
      %add3A_298 = arith.addi %mul3A_52, %add3A_297 : i32
      %swap3A_299 = arith.index_cast %add3A_298 : i32 to index
      %swap3A_300 = arith.constant 16 : index
      %swap3A_301 = tpu.vector_load %arg7[%swap3A_299, %swap3A_300] {strides = array<i32>} : memref<256x128xf32, #tpu.memory_space<vmem>>, vector<16xf32>,
      tpu.vector_store %arg7[%swap3A_299, %swap3A_300], %broadcast_in_dim3A_35 {strides = array<i32>} : memref<256x128xf32, #tpu.memory_space<vmem>>, vector<16xf32>,
      %add3A_302 = arith.constant 6 : i32
      %add3A_303 = arith.addi %mul3A_52, %add3A_302 : i32
      %swap3A_304 = arith.index_cast %add3A_303 : i32 to index
      %swap3A_305 = arith.constant 32 : index
      %swap3A_306 = tpu.vector_load %arg7[%swap3A_304, %swap3A_305] {strides = array<i32>} : memref<256x128xf32, #tpu.memory_space<vmem>>, vector<16xf32>,
      tpu.vector_store %arg7[%swap3A_304, %swap3A_305], %broadcast_in_dim3A_35 {strides = array<i32>} : memref<256x128xf32, #tpu.memory_space<vmem>>, vector<16xf32>,
      %add3A_307 = arith.constant 6 : i32
      %add3A_308 = arith.addi %mul3A_52, %add3A_307 : i32
      %swap3A_309 = arith.index_cast %add3A_308 : i32 to index
      %swap3A_310 = arith.constant 48 : index
      %swap3A_311 = tpu.vector_load %arg7[%swap3A_309, %swap3A_310] {strides = array<i32>} : memref<256x128xf32, #tpu.memory_space<vmem>>, vector<16xf32>,
      tpu.vector_store %arg7[%swap3A_309, %swap3A_310], %broadcast_in_dim3A_35 {strides = array<i32>} : memref<256x128xf32, #tpu.memory_space<vmem>>, vector<16xf32>,
      %add3A_312 = arith.constant 6 : i32
      %add3A_313 = arith.addi %mul3A_52, %add3A_312 : i32
      %swap3A_314 = arith.index_cast %add3A_313 : i32 to index
      %swap3A_315 = arith.constant 64 : index
      %swap3A_316 = tpu.vector_load %arg7[%swap3A_314, %swap3A_315] {strides = array<i32>} : memref<256x128xf32, #tpu.memory_space<vmem>>, vector<16xf32>,
      tpu.vector_store %arg7[%swap3A_314, %swap3A_315], %broadcast_in_dim3A_35 {strides = array<i32>} : memref<256x128xf32, #tpu.memory_space<vmem>>, vector<16xf32>,
      %add3A_317 = arith.constant 6 : i32
      %add3A_318 = arith.addi %mul3A_52, %add3A_317 : i32
      %swap3A_319 = arith.index_cast %add3A_318 : i32 to index
      %swap3A_320 = arith.constant 80 : index
      %swap3A_321 = tpu.vector_load %arg7[%swap3A_319, %swap3A_320] {strides = array<i32>} : memref<256x128xf32, #tpu.memory_space<vmem>>, vector<16xf32>,
      tpu.vector_store %arg7[%swap3A_319, %swap3A_320], %broadcast_in_dim3A_35 {strides = array<i32>} : memref<256x128xf32, #tpu.memory_space<vmem>>, vector<16xf32>,
      %add3A_322 = arith.constant 6 : i32
      %add3A_323 = arith.addi %mul3A_52, %add3A_322 : i32
      %swap3A_324 = arith.index_cast %add3A_323 : i32 to index
      %swap3A_325 = arith.constant 96 : index
      %swap3A_326 = tpu.vector_load %arg7[%swap3A_324, %swap3A_325] {strides = array<i32>} : memref<256x128xf32, #tpu.memory_space<vmem>>, vector<16xf32>,
      tpu.vector_store %arg7[%swap3A_324, %swap3A_325], %broadcast_in_dim3A_35 {strides = array<i32>} : memref<256x128xf32, #tpu.memory_space<vmem>>, vector<16xf32>,
      %add3A_327 = arith.constant 6 : i32
      %add3A_328 = arith.addi %mul3A_52, %add3A_327 : i32
      %swap3A_329 = arith.index_cast %add3A_328 : i32 to index
      %swap3A_330 = arith.constant 112 : index
      %swap3A_331 = tpu.vector_load %arg7[%swap3A_329, %swap3A_330] {strides = array<i32>} : memref<256x128xf32, #tpu.memory_space<vmem>>, vector<16xf32>,
      tpu.vector_store %arg7[%swap3A_329, %swap3A_330], %broadcast_in_dim3A_35 {strides = array<i32>} : memref<256x128xf32, #tpu.memory_space<vmem>>, vector<16xf32>,
      %add3A_332 = arith.constant 7 : i32
      %add3A_333 = arith.addi %mul3A_52, %add3A_332 : i32
      %swap3A_334 = arith.index_cast %add3A_333 : i32 to index
      %swap3A_335 = arith.constant 0 : index
      %swap3A_336 = tpu.vector_load %arg7[%swap3A_334, %swap3A_335] {strides = array<i32>} : memref<256x128xf32, #tpu.memory_space<vmem>>, vector<16xf32>,
      tpu.vector_store %arg7[%swap3A_334, %swap3A_335], %broadcast_in_dim3A_35 {strides = array<i32>} : memref<256x128xf32, #tpu.memory_space<vmem>>, vector<16xf32>,
      %add3A_337 = arith.constant 7 : i32
      %add3A_338 = arith.addi %mul3A_52, %add3A_337 : i32
      %swap3A_339 = arith.index_cast %add3A_338 : i32 to index
      %swap3A_340 = arith.constant 16 : index
      %swap3A_341 = tpu.vector_load %arg7[%swap3A_339, %swap3A_340] {strides = array<i32>} : memref<256x128xf32, #tpu.memory_space<vmem>>, vector<16xf32>,
      tpu.vector_store %arg7[%swap3A_339, %swap3A_340], %broadcast_in_dim3A_35 {strides = array<i32>} : memref<256x128xf32, #tpu.memory_space<vmem>>, vector<16xf32>,
      %add3A_342 = arith.constant 7 : i32
      %add3A_343 = arith.addi %mul3A_52, %add3A_342 : i32
      %swap3A_344 = arith.index_cast %add3A_343 : i32 to index
      %swap3A_345 = arith.constant 32 : index
      %swap3A_346 = tpu.vector_load %arg7[%swap3A_344, %swap3A_345] {strides = array<i32>} : memref<256x128xf32, #tpu.memory_space<vmem>>, vector<16xf32>,
      tpu.vector_store %arg7[%swap3A_344, %swap3A_345], %broadcast_in_dim3A_35 {strides = array<i32>} : memref<256x128xf32, #tpu.memory_space<vmem>>, vector<16xf32>,
      %add3A_347 = arith.constant 7 : i32
      %add3A_348 = arith.addi %mul3A_52, %add3A_347 : i32
      %swap3A_349 = arith.index_cast %add3A_348 : i32 to index
      %swap3A_350 = arith.constant 48 : index
      %swap3A_351 = tpu.vector_load %arg7[%swap3A_349, %swap3A_350] {strides = array<i32>} : memref<256x128xf32, #tpu.memory_space<vmem>>, vector<16xf32>,
      tpu.vector_store %arg7[%swap3A_349, %swap3A_350], %broadcast_in_dim3A_35 {strides = array<i32>} : memref<256x128xf32, #tpu.memory_space<vmem>>, vector<16xf32>,
      %add3A_352 = arith.constant 7 : i32
      %add3A_353 = arith.addi %mul3A_52, %add3A_352 : i32
      %swap3A_354 = arith.index_cast %add3A_353 : i32 to index
      %swap3A_355 = arith.constant 64 : index
      %swap3A_356 = tpu.vector_load %arg7[%swap3A_354, %swap3A_355] {strides = array<i32>} : memref<256x128xf32, #tpu.memory_space<vmem>>, vector<16xf32>,
      tpu.vector_store %arg7[%swap3A_354, %swap3A_355], %broadcast_in_dim3A_35 {strides = array<i32>} : memref<256x128xf32, #tpu.memory_space<vmem>>, vector<16xf32>,
      %add3A_357 = arith.constant 7 : i32
      %add3A_358 = arith.addi %mul3A_52, %add3A_357 : i32
      %swap3A_359 = arith.index_cast %add3A_358 : i32 to index
      %swap3A_360 = arith.constant 80 : index
      %swap3A_361 = tpu.vector_load %arg7[%swap3A_359, %swap3A_360] {strides = array<i32>} : memref<256x128xf32, #tpu.memory_space<vmem>>, vector<16xf32>,
      tpu.vector_store %arg7[%swap3A_359, %swap3A_360], %broadcast_in_dim3A_35 {strides = array<i32>} : memref<256x128xf32, #tpu.memory_space<vmem>>, vector<16xf32>,
      %add3A_362 = arith.constant 7 : i32
      %add3A_363 = arith.addi %mul3A_52, %add3A_362 : i32
      %swap3A_364 = arith.index_cast %add3A_363 : i32 to index
      %swap3A_365 = arith.constant 96 : index
      %swap3A_366 = tpu.vector_load %arg7[%swap3A_364, %swap3A_365] {strides = array<i32>} : memref<256x128xf32, #tpu.memory_space<vmem>>, vector<16xf32>,
      tpu.vector_store %arg7[%swap3A_364, %swap3A_365], %broadcast_in_dim3A_35 {strides = array<i32>} : memref<256x128xf32, #tpu.memory_space<vmem>>, vector<16xf32>,
      %add3A_367 = arith.constant 7 : i32
      %add3A_368 = arith.addi %mul3A_52, %add3A_367 : i32
      %swap3A_369 = arith.index_cast %add3A_368 : i32 to index
      %swap3A_370 = arith.constant 112 : index
      %swap3A_371 = tpu.vector_load %arg7[%swap3A_369, %swap3A_370] {strides = array<i32>} : memref<256x128xf32, #tpu.memory_space<vmem>>, vector<16xf32>,
      tpu.vector_store %arg7[%swap3A_369, %swap3A_370], %broadcast_in_dim3A_35 {strides = array<i32>} : memref<256x128xf32, #tpu.memory_space<vmem>>, vector<16xf32>,
      %add3A_372 = arith.constant 8 : i32
      %add3A_373 = arith.addi %mul3A_52, %add3A_372 : i32
      %swap3A_374 = arith.index_cast %add3A_373 : i32 to index
      %swap3A_375 = arith.constant 0 : index
      %swap3A_376 = tpu.vector_load %arg7[%swap3A_374, %swap3A_375] {strides = array<i32>} : memref<256x128xf32, #tpu.memory_space<vmem>>, vector<16xf32>,
      tpu.vector_store %arg7[%swap3A_374, %swap3A_375], %broadcast_in_dim3A_35 {strides = array<i32>} : memref<256x128xf32, #tpu.memory_space<vmem>>, vector<16xf32>,
      %add3A_377 = arith.constant 8 : i32
      %add3A_378 = arith.addi %mul3A_52, %add3A_377 : i32
      %swap3A_379 = arith.index_cast %add3A_378 : i32 to index
      %swap3A_380 = arith.constant 16 : index
      %swap3A_381 = tpu.vector_load %arg7[%swap3A_379, %swap3A_380] {strides = array<i32>} : memref<256x128xf32, #tpu.memory_space<vmem>>, vector<16xf32>,
      tpu.vector_store %arg7[%swap3A_379, %swap3A_380], %broadcast_in_dim3A_35 {strides = array<i32>} : memref<256x128xf32, #tpu.memory_space<vmem>>, vector<16xf32>,
      %add3A_382 = arith.constant 8 : i32
      %add3A_383 = arith.addi %mul3A_52, %add3A_382 : i32
      %swap3A_384 = arith.index_cast %add3A_383 : i32 to index
      %swap3A_385 = arith.constant 32 : index
      %swap3A_386 = tpu.vector_load %arg7[%swap3A_384, %swap3A_385] {strides = array<i32>} : memref<256x128xf32, #tpu.memory_space<vmem>>, vector<16xf32>,
      tpu.vector_store %arg7[%swap3A_384, %swap3A_385], %broadcast_in_dim3A_35 {strides = array<i32>} : memref<256x128xf32, #tpu.memory_space<vmem>>, vector<16xf32>,
      %add3A_387 = arith.constant 8 : i32
      %add3A_388 = arith.addi %mul3A_52, %add3A_387 : i32
      %swap3A_389 = arith.index_cast %add3A_388 : i32 to index
      %swap3A_390 = arith.constant 48 : index
      %swap3A_391 = tpu.vector_load %arg7[%swap3A_389, %swap3A_390] {strides = array<i32>} : memref<256x128xf32, #tpu.memory_space<vmem>>, vector<16xf32>,
      tpu.vector_store %arg7[%swap3A_389, %swap3A_390], %broadcast_in_dim3A_35 {strides = array<i32>} : memref<256x128xf32, #tpu.memory_space<vmem>>, vector<16xf32>,
      %add3A_392 = arith.constant 8 : i32
      %add3A_393 = arith.addi %mul3A_52, %add3A_392 : i32
      %swap3A_394 = arith.index_cast %add3A_393 : i32 to index
      %swap3A_395 = arith.constant 64 : index
      %swap3A_396 = tpu.vector_load %arg7[%swap3A_394, %swap3A_395] {strides = array<i32>} : memref<256x128xf32, #tpu.memory_space<vmem>>, vector<16xf32>,
      tpu.vector_store %arg7[%swap3A_394, %swap3A_395], %broadcast_in_dim3A_35 {strides = array<i32>} : memref<256x128xf32, #tpu.memory_space<vmem>>, vector<16xf32>,
      %add3A_397 = arith.constant 8 : i32
      %add3A_398 = arith.addi %mul3A_52, %add3A_397 : i32
      %swap3A_399 = arith.index_cast %add3A_398 : i32 to index
      %swap3A_400 = arith.constant 80 : index
      %swap3A_401 = tpu.vector_load %arg7[%swap3A_399, %swap3A_400] {strides = array<i32>} : memref<256x128xf32, #tpu.memory_space<vmem>>, vector<16xf32>,
      tpu.vector_store %arg7[%swap3A_399, %swap3A_400], %broadcast_in_dim3A_35 {strides = array<i32>} : memref<256x128xf32, #tpu.memory_space<vmem>>, vector<16xf32>,
      %add3A_402 = arith.constant 8 : i32
      %add3A_403 = arith.addi %mul3A_52, %add3A_402 : i32
      %swap3A_404 = arith.index_cast %add3A_403 : i32 to index
      %swap3A_405 = arith.constant 96 : index
      %swap3A_406 = tpu.vector_load %arg7[%swap3A_404, %swap3A_405] {strides = array<i32>} : memref<256x128xf32, #tpu.memory_space<vmem>>, vector<16xf32>,
      tpu.vector_store %arg7[%swap3A_404, %swap3A_405], %broadcast_in_dim3A_35 {strides = array<i32>} : memref<256x128xf32, #tpu.memory_space<vmem>>, vector<16xf32>,
      %add3A_407 = arith.constant 8 : i32
      %add3A_408 = arith.addi %mul3A_52, %add3A_407 : i32
      %swap3A_409 = arith.index_cast %add3A_408 : i32 to index
      %swap3A_410 = arith.constant 112 : index
      %swap3A_411 = tpu.vector_load %arg7[%swap3A_409, %swap3A_410] {strides = array<i32>} : memref<256x128xf32, #tpu.memory_space<vmem>>, vector<16xf32>,
      tpu.vector_store %arg7[%swap3A_409, %swap3A_410], %broadcast_in_dim3A_35 {strides = array<i32>} : memref<256x128xf32, #tpu.memory_space<vmem>>, vector<16xf32>,
      %add3A_412 = arith.constant 9 : i32
      %add3A_413 = arith.addi %mul3A_52, %add3A_412 : i32
      %swap3A_414 = arith.index_cast %add3A_413 : i32 to index
      %swap3A_415 = arith.constant 0 : index
      %swap3A_416 = tpu.vector_load %arg7[%swap3A_414, %swap3A_415] {strides = array<i32>} : memref<256x128xf32, #tpu.memory_space<vmem>>, vector<16xf32>,
      tpu.vector_store %arg7[%swap3A_414, %swap3A_415], %broadcast_in_dim3A_35 {strides = array<i32>} : memref<256x128xf32, #tpu.memory_space<vmem>>, vector<16xf32>,
      %add3A_417 = arith.constant 9 : i32
      %add3A_418 = arith.addi %mul3A_52, %add3A_417 : i32
      %swap3A_419 = arith.index_cast %add3A_418 : i32 to index
      %swap3A_420 = arith.constant 16 : index
      %swap3A_421 = tpu.vector_load %arg7[%swap3A_419, %swap3A_420] {strides = array<i32>} : memref<256x128xf32, #tpu.memory_space<vmem>>, vector<16xf32>,
      tpu.vector_store %arg7[%swap3A_419, %swap3A_420], %broadcast_in_dim3A_35 {strides = array<i32>} : memref<256x128xf32, #tpu.memory_space<vmem>>, vector<16xf32>,
      %add3A_422 = arith.constant 9 : i32
      %add3A_423 = arith.addi %mul3A_52, %add3A_422 : i32
      %swap3A_424 = arith.index_cast %add3A_423 : i32 to index
      %swap3A_425 = arith.constant 32 : index
      %swap3A_426 = tpu.vector_load %arg7[%swap3A_424, %swap3A_425] {strides = array<i32>} : memref<256x128xf32, #tpu.memory_space<vmem>>, vector<16xf32>,
      tpu.vector_store %arg7[%swap3A_424, %swap3A_425], %broadcast_in_dim3A_35 {strides = array<i32>} : memref<256x128xf32, #tpu.memory_space<vmem>>, vector<16xf32>,
      %add3A_427 = arith.constant 9 : i32
      %add3A_428 = arith.addi %mul3A_52, %add3A_427 : i32
      %swap3A_429 = arith.index_cast %add3A_428 : i32 to index
      %swap3A_430 = arith.constant 48 : index
      %swap3A_431 = tpu.vector_load %arg7[%swap3A_429, %swap3A_430] {strides = array<i32>} : memref<256x128xf32, #tpu.memory_space<vmem>>, vector<16xf32>,
      tpu.vector_store %arg7[%swap3A_429, %swap3A_430], %broadcast_in_dim3A_35 {strides = array<i32>} : memref<256x128xf32, #tpu.memory_space<vmem>>, vector<16xf32>,
      %add3A_432 = arith.constant 9 : i32
      %add3A_433 = arith.addi %mul3A_52, %add3A_432 : i32
      %swap3A_434 = arith.index_cast %add3A_433 : i32 to index
      %swap3A_435 = arith.constant 64 : index
      %swap3A_436 = tpu.vector_load %arg7[%swap3A_434, %swap3A_435] {strides = array<i32>} : memref<256x128xf32, #tpu.memory_space<vmem>>, vector<16xf32>,
      tpu.vector_store %arg7[%swap3A_434, %swap3A_435], %broadcast_in_dim3A_35 {strides = array<i32>} : memref<256x128xf32, #tpu.memory_space<vmem>>, vector<16xf32>,
      %add3A_437 = arith.constant 9 : i32
      %add3A_438 = arith.addi %mul3A_52, %add3A_437 : i32
      %swap3A_439 = arith.index_cast %add3A_438 : i32 to index
      %swap3A_440 = arith.constant 80 : index
      %swap3A_441 = tpu.vector_load %arg7[%swap3A_439, %swap3A_440] {strides = array<i32>} : memref<256x128xf32, #tpu.memory_space<vmem>>, vector<16xf32>,
      tpu.vector_store %arg7[%swap3A_439, %swap3A_440], %broadcast_in_dim3A_35 {strides = array<i32>} : memref<256x128xf32, #tpu.memory_space<vmem>>, vector<16xf32>,
      %add3A_442 = arith.constant 9 : i32
      %add3A_443 = arith.addi %mul3A_52, %add3A_442 : i32
      %swap3A_444 = arith.index_cast %add3A_443 : i32 to index
      %swap3A_445 = arith.constant 96 : index
      %swap3A_446 = tpu.vector_load %arg7[%swap3A_444, %swap3A_445] {strides = array<i32>} : memref<256x128xf32, #tpu.memory_space<vmem>>, vector<16xf32>,
      tpu.vector_store %arg7[%swap3A_444, %swap3A_445], %broadcast_in_dim3A_35 {strides = array<i32>} : memref<256x128xf32, #tpu.memory_space<vmem>>, vector<16xf32>,
      %add3A_447 = arith.constant 9 : i32
      %add3A_448 = arith.addi %mul3A_52, %add3A_447 : i32
      %swap3A_449 = arith.index_cast %add3A_448 : i32 to index
      %swap3A_450 = arith.constant 112 : index
      %swap3A_451 = tpu.vector_load %arg7[%swap3A_449, %swap3A_450] {strides = array<i32>} : memref<256x128xf32, #tpu.memory_space<vmem>>, vector<16xf32>,
      tpu.vector_store %arg7[%swap3A_449, %swap3A_450], %broadcast_in_dim3A_35 {strides = array<i32>} : memref<256x128xf32, #tpu.memory_space<vmem>>, vector<16xf32>,
      %add3A_452 = arith.constant 10 : i32
      %add3A_453 = arith.addi %mul3A_52, %add3A_452 : i32
      %swap3A_454 = arith.index_cast %add3A_453 : i32 to index
      %swap3A_455 = arith.constant 0 : index
      %swap3A_456 = tpu.vector_load %arg7[%swap3A_454, %swap3A_455] {strides = array<i32>} : memref<256x128xf32, #tpu.memory_space<vmem>>, vector<16xf32>,
      tpu.vector_store %arg7[%swap3A_454, %swap3A_455], %broadcast_in_dim3A_35 {strides = array<i32>} : memref<256x128xf32, #tpu.memory_space<vmem>>, vector<16xf32>,
      %add3A_457 = arith.constant 10 : i32
      %add3A_458 = arith.addi %mul3A_52, %add3A_457 : i32
      %swap3A_459 = arith.index_cast %add3A_458 : i32 to index
      %swap3A_460 = arith.constant 16 : index
      %swap3A_461 = tpu.vector_load %arg7[%swap3A_459, %swap3A_460] {strides = array<i32>} : memref<256x128xf32, #tpu.memory_space<vmem>>, vector<16xf32>,
      tpu.vector_store %arg7[%swap3A_459, %swap3A_460], %broadcast_in_dim3A_35 {strides = array<i32>} : memref<256x128xf32, #tpu.memory_space<vmem>>, vector<16xf32>,
      %add3A_462 = arith.constant 10 : i32
      %add3A_463 = arith.addi %mul3A_52, %add3A_462 : i32
      %swap3A_464 = arith.index_cast %add3A_463 : i32 to index
      %swap3A_465 = arith.constant 32 : index
      %swap3A_466 = tpu.vector_load %arg7[%swap3A_464, %swap3A_465] {strides = array<i32>} : memref<256x128xf32, #tpu.memory_space<vmem>>, vector<16xf32>,
      tpu.vector_store %arg7[%swap3A_464, %swap3A_465], %broadcast_in_dim3A_35 {strides = array<i32>} : memref<256x128xf32, #tpu.memory_space<vmem>>, vector<16xf32>,
      %add3A_467 = arith.constant 10 : i32
      %add3A_468 = arith.addi %mul3A_52, %add3A_467 : i32
      %swap3A_469 = arith.index_cast %add3A_468 : i32 to index
      %swap3A_470 = arith.constant 48 : index
      %swap3A_471 = tpu.vector_load %arg7[%swap3A_469, %swap3A_470] {strides = array<i32>} : memref<256x128xf32, #tpu.memory_space<vmem>>, vector<16xf32>,
      tpu.vector_store %arg7[%swap3A_469, %swap3A_470], %broadcast_in_dim3A_35 {strides = array<i32>} : memref<256x128xf32, #tpu.memory_space<vmem>>, vector<16xf32>,
      %add3A_472 = arith.constant 10 : i32
      %add3A_473 = arith.addi %mul3A_52, %add3A_472 : i32
      %swap3A_474 = arith.index_cast %add3A_473 : i32 to index
      %swap3A_475 = arith.constant 64 : index
      %swap3A_476 = tpu.vector_load %arg7[%swap3A_474, %swap3A_475] {strides = array<i32>} : memref<256x128xf32, #tpu.memory_space<vmem>>, vector<16xf32>,
      tpu.vector_store %arg7[%swap3A_474, %swap3A_475], %broadcast_in_dim3A_35 {strides = array<i32>} : memref<256x128xf32, #tpu.memory_space<vmem>>, vector<16xf32>,
      %add3A_477 = arith.constant 10 : i32
      %add3A_478 = arith.addi %mul3A_52, %add3A_477 : i32
      %swap3A_479 = arith.index_cast %add3A_478 : i32 to index
      %swap3A_480 = arith.constant 80 : index
      %swap3A_481 = tpu.vector_load %arg7[%swap3A_479, %swap3A_480] {strides = array<i32>} : memref<256x128xf32, #tpu.memory_space<vmem>>, vector<16xf32>,
      tpu.vector_store %arg7[%swap3A_479, %swap3A_480], %broadcast_in_dim3A_35 {strides = array<i32>} : memref<256x128xf32, #tpu.memory_space<vmem>>, vector<16xf32>,
      %add3A_482 = arith.constant 10 : i32
      %add3A_483 = arith.addi %mul3A_52, %add3A_482 : i32
      %swap3A_484 = arith.index_cast %add3A_483 : i32 to index
      %swap3A_485 = arith.constant 96 : index
      %swap3A_486 = tpu.vector_load %arg7[%swap3A_484, %swap3A_485] {strides = array<i32>} : memref<256x128xf32, #tpu.memory_space<vmem>>, vector<16xf32>,
      tpu.vector_store %arg7[%swap3A_484, %swap3A_485], %broadcast_in_dim3A_35 {strides = array<i32>} : memref<256x128xf32, #tpu.memory_space<vmem>>, vector<16xf32>,
      %add3A_487 = arith.constant 10 : i32
      %add3A_488 = arith.addi %mul3A_52, %add3A_487 : i32
      %swap3A_489 = arith.index_cast %add3A_488 : i32 to index
      %swap3A_490 = arith.constant 112 : index
      %swap3A_491 = tpu.vector_load %arg7[%swap3A_489, %swap3A_490] {strides = array<i32>} : memref<256x128xf32, #tpu.memory_space<vmem>>, vector<16xf32>,
      tpu.vector_store %arg7[%swap3A_489, %swap3A_490], %broadcast_in_dim3A_35 {strides = array<i32>} : memref<256x128xf32, #tpu.memory_space<vmem>>, vector<16xf32>,
      %add3A_492 = arith.constant 11 : i32
      %add3A_493 = arith.addi %mul3A_52, %add3A_492 : i32
      %swap3A_494 = arith.index_cast %add3A_493 : i32 to index
      %swap3A_495 = arith.constant 0 : index
      %swap3A_496 = tpu.vector_load %arg7[%swap3A_494, %swap3A_495] {strides = array<i32>} : memref<256x128xf32, #tpu.memory_space<vmem>>, vector<16xf32>,
      tpu.vector_store %arg7[%swap3A_494, %swap3A_495], %broadcast_in_dim3A_35 {strides = array<i32>} : memref<256x128xf32, #tpu.memory_space<vmem>>, vector<16xf32>,
      %add3A_497 = arith.constant 11 : i32
      %add3A_498 = arith.addi %mul3A_52, %add3A_497 : i32
      %swap3A_499 = arith.index_cast %add3A_498 : i32 to index
      %swap3A_500 = arith.constant 16 : index
      %swap3A_501 = tpu.vector_load %arg7[%swap3A_499, %swap3A_500] {strides = array<i32>} : memref<256x128xf32, #tpu.memory_space<vmem>>, vector<16xf32>,
      tpu.vector_store %arg7[%swap3A_499, %swap3A_500], %broadcast_in_dim3A_35 {strides = array<i32>} : memref<256x128xf32, #tpu.memory_space<vmem>>, vector<16xf32>,
      %add3A_502 = arith.constant 11 : i32
      %add3A_503 = arith.addi %mul3A_52, %add3A_502 : i32
      %swap3A_504 = arith.index_cast %add3A_503 : i32 to index
      %swap3A_505 = arith.constant 32 : index
      %swap3A_506 = tpu.vector_load %arg7[%swap3A_504, %swap3A_505] {strides = array<i32>} : memref<256x128xf32, #tpu.memory_space<vmem>>, vector<16xf32>,
      tpu.vector_store %arg7[%swap3A_504, %swap3A_505], %broadcast_in_dim3A_35 {strides = array<i32>} : memref<256x128xf32, #tpu.memory_space<vmem>>, vector<16xf32>,
      %add3A_507 = arith.constant 11 : i32
      %add3A_508 = arith.addi %mul3A_52, %add3A_507 : i32
      %swap3A_509 = arith.index_cast %add3A_508 : i32 to index
      %swap3A_510 = arith.constant 48 : index
      %swap3A_511 = tpu.vector_load %arg7[%swap3A_509, %swap3A_510] {strides = array<i32>} : memref<256x128xf32, #tpu.memory_space<vmem>>, vector<16xf32>,
      tpu.vector_store %arg7[%swap3A_509, %swap3A_510], %broadcast_in_dim3A_35 {strides = array<i32>} : memref<256x128xf32, #tpu.memory_space<vmem>>, vector<16xf32>,
      %add3A_512 = arith.constant 11 : i32
      %add3A_513 = arith.addi %mul3A_52, %add3A_512 : i32
      %swap3A_514 = arith.index_cast %add3A_513 : i32 to index
      %swap3A_515 = arith.constant 64 : index
      %swap3A_516 = tpu.vector_load %arg7[%swap3A_514, %swap3A_515] {strides = array<i32>} : memref<256x128xf32, #tpu.memory_space<vmem>>, vector<16xf32>,
      tpu.vector_store %arg7[%swap3A_514, %swap3A_515], %broadcast_in_dim3A_35 {strides = array<i32>} : memref<256x128xf32, #tpu.memory_space<vmem>>, vector<16xf32>,
      %add3A_517 = arith.constant 11 : i32
      %add3A_518 = arith.addi %mul3A_52, %add3A_517 : i32
      %swap3A_519 = arith.index_cast %add3A_518 : i32 to index
      %swap3A_520 = arith.constant 80 : index
      %swap3A_521 = tpu.vector_load %arg7[%swap3A_519, %swap3A_520] {strides = array<i32>} : memref<256x128xf32, #tpu.memory_space<vmem>>, vector<16xf32>,
      tpu.vector_store %arg7[%swap3A_519, %swap3A_520], %broadcast_in_dim3A_35 {strides = array<i32>} : memref<256x128xf32, #tpu.memory_space<vmem>>, vector<16xf32>,
      %add3A_522 = arith.constant 11 : i32
      %add3A_523 = arith.addi %mul3A_52, %add3A_522 : i32
      %swap3A_524 = arith.index_cast %add3A_523 : i32 to index
      %swap3A_525 = arith.constant 96 : index
      %swap3A_526 = tpu.vector_load %arg7[%swap3A_524, %swap3A_525] {strides = array<i32>} : memref<256x128xf32, #tpu.memory_space<vmem>>, vector<16xf32>,
      tpu.vector_store %arg7[%swap3A_524, %swap3A_525], %broadcast_in_dim3A_35 {strides = array<i32>} : memref<256x128xf32, #tpu.memory_space<vmem>>, vector<16xf32>,
      %add3A_527 = arith.constant 11 : i32
      %add3A_528 = arith.addi %mul3A_52, %add3A_527 : i32
      %swap3A_529 = arith.index_cast %add3A_528 : i32 to index
      %swap3A_530 = arith.constant 112 : index
      %swap3A_531 = tpu.vector_load %arg7[%swap3A_529, %swap3A_530] {strides = array<i32>} : memref<256x128xf32, #tpu.memory_space<vmem>>, vector<16xf32>,
      tpu.vector_store %arg7[%swap3A_529, %swap3A_530], %broadcast_in_dim3A_35 {strides = array<i32>} : memref<256x128xf32, #tpu.memory_space<vmem>>, vector<16xf32>,
      %add3A_532 = arith.constant 12 : i32
      %add3A_533 = arith.addi %mul3A_52, %add3A_532 : i32
      %swap3A_534 = arith.index_cast %add3A_533 : i32 to index
      %swap3A_535 = arith.constant 0 : index
      %swap3A_536 = tpu.vector_load %arg7[%swap3A_534, %swap3A_535] {strides = array<i32>} : memref<256x128xf32, #tpu.memory_space<vmem>>, vector<16xf32>,
      tpu.vector_store %arg7[%swap3A_534, %swap3A_535], %broadcast_in_dim3A_35 {strides = array<i32>} : memref<256x128xf32, #tpu.memory_space<vmem>>, vector<16xf32>,
      %add3A_537 = arith.constant 12 : i32
      %add3A_538 = arith.addi %mul3A_52, %add3A_537 : i32
      %swap3A_539 = arith.index_cast %add3A_538 : i32 to index
      %swap3A_540 = arith.constant 16 : index
      %swap3A_541 = tpu.vector_load %arg7[%swap3A_539, %swap3A_540] {strides = array<i32>} : memref<256x128xf32, #tpu.memory_space<vmem>>, vector<16xf32>,
      tpu.vector_store %arg7[%swap3A_539, %swap3A_540], %broadcast_in_dim3A_35 {strides = array<i32>} : memref<256x128xf32, #tpu.memory_space<vmem>>, vector<16xf32>,
      %add3A_542 = arith.constant 12 : i32
      %add3A_543 = arith.addi %mul3A_52, %add3A_542 : i32
      %swap3A_544 = arith.index_cast %add3A_543 : i32 to index
      %swap3A_545 = arith.constant 32 : index
      %swap3A_546 = tpu.vector_load %arg7[%swap3A_544, %swap3A_545] {strides = array<i32>} : memref<256x128xf32, #tpu.memory_space<vmem>>, vector<16xf32>,
      tpu.vector_store %arg7[%swap3A_544, %swap3A_545], %broadcast_in_dim3A_35 {strides = array<i32>} : memref<256x128xf32, #tpu.memory_space<vmem>>, vector<16xf32>,
      %add3A_547 = arith.constant 12 : i32
      %add3A_548 = arith.addi %mul3A_52, %add3A_547 : i32
      %swap3A_549 = arith.index_cast %add3A_548 : i32 to index
      %swap3A_550 = arith.constant 48 : index
      %swap3A_551 = tpu.vector_load %arg7[%swap3A_549, %swap3A_550] {strides = array<i32>} : memref<256x128xf32, #tpu.memory_space<vmem>>, vector<16xf32>,
      tpu.vector_store %arg7[%swap3A_549, %swap3A_550], %broadcast_in_dim3A_35 {strides = array<i32>} : memref<256x128xf32, #tpu.memory_space<vmem>>, vector<16xf32>,
      %add3A_552 = arith.constant 12 : i32
      %add3A_553 = arith.addi %mul3A_52, %add3A_552 : i32
      %swap3A_554 = arith.index_cast %add3A_553 : i32 to index
      %swap3A_555 = arith.constant 64 : index
      %swap3A_556 = tpu.vector_load %arg7[%swap3A_554, %swap3A_555] {strides = array<i32>} : memref<256x128xf32, #tpu.memory_space<vmem>>, vector<16xf32>,
      tpu.vector_store %arg7[%swap3A_554, %swap3A_555], %broadcast_in_dim3A_35 {strides = array<i32>} : memref<256x128xf32, #tpu.memory_space<vmem>>, vector<16xf32>,
      %add3A_557 = arith.constant 12 : i32
      %add3A_558 = arith.addi %mul3A_52, %add3A_557 : i32
      %swap3A_559 = arith.index_cast %add3A_558 : i32 to index
      %swap3A_560 = arith.constant 80 : index
      %swap3A_561 = tpu.vector_load %arg7[%swap3A_559, %swap3A_560] {strides = array<i32>} : memref<256x128xf32, #tpu.memory_space<vmem>>, vector<16xf32>,
      tpu.vector_store %arg7[%swap3A_559, %swap3A_560], %broadcast_in_dim3A_35 {strides = array<i32>} : memref<256x128xf32, #tpu.memory_space<vmem>>, vector<16xf32>,
      %add3A_562 = arith.constant 12 : i32
      %add3A_563 = arith.addi %mul3A_52, %add3A_562 : i32
      %swap3A_564 = arith.index_cast %add3A_563 : i32 to index
      %swap3A_565 = arith.constant 96 : index
      %swap3A_566 = tpu.vector_load %arg7[%swap3A_564, %swap3A_565] {strides = array<i32>} : memref<256x128xf32, #tpu.memory_space<vmem>>, vector<16xf32>,
      tpu.vector_store %arg7[%swap3A_564, %swap3A_565], %broadcast_in_dim3A_35 {strides = array<i32>} : memref<256x128xf32, #tpu.memory_space<vmem>>, vector<16xf32>,
      %add3A_567 = arith.constant 12 : i32
      %add3A_568 = arith.addi %mul3A_52, %add3A_567 : i32
      %swap3A_569 = arith.index_cast %add3A_568 : i32 to index
      %swap3A_570 = arith.constant 112 : index
      %swap3A_571 = tpu.vector_load %arg7[%swap3A_569, %swap3A_570] {strides = array<i32>} : memref<256x128xf32, #tpu.memory_space<vmem>>, vector<16xf32>,
      tpu.vector_store %arg7[%swap3A_569, %swap3A_570], %broadcast_in_dim3A_35 {strides = array<i32>} : memref<256x128xf32, #tpu.memory_space<vmem>>, vector<16xf32>,
      %add3A_572 = arith.constant 13 : i32
      %add3A_573 = arith.addi %mul3A_52, %add3A_572 : i32
      %swap3A_574 = arith.index_cast %add3A_573 : i32 to index
      %swap3A_575 = arith.constant 0 : index
      %swap3A_576 = tpu.vector_load %arg7[%swap3A_574, %swap3A_575] {strides = array<i32>} : memref<256x128xf32, #tpu.memory_space<vmem>>, vector<16xf32>,
      tpu.vector_store %arg7[%swap3A_574, %swap3A_575], %broadcast_in_dim3A_35 {strides = array<i32>} : memref<256x128xf32, #tpu.memory_space<vmem>>, vector<16xf32>,
      %add3A_577 = arith.constant 13 : i32
      %add3A_578 = arith.addi %mul3A_52, %add3A_577 : i32
      %swap3A_579 = arith.index_cast %add3A_578 : i32 to index
      %swap3A_580 = arith.constant 16 : index
      %swap3A_581 = tpu.vector_load %arg7[%swap3A_579, %swap3A_580] {strides = array<i32>} : memref<256x128xf32, #tpu.memory_space<vmem>>, vector<16xf32>,
      tpu.vector_store %arg7[%swap3A_579, %swap3A_580], %broadcast_in_dim3A_35 {strides = array<i32>} : memref<256x128xf32, #tpu.memory_space<vmem>>, vector<16xf32>,
      %add3A_582 = arith.constant 13 : i32
      %add3A_583 = arith.addi %mul3A_52, %add3A_582 : i32
      %swap3A_584 = arith.index_cast %add3A_583 : i32 to index
      %swap3A_585 = arith.constant 32 : index
      %swap3A_586 = tpu.vector_load %arg7[%swap3A_584, %swap3A_585] {strides = array<i32>} : memref<256x128xf32, #tpu.memory_space<vmem>>, vector<16xf32>,
      tpu.vector_store %arg7[%swap3A_584, %swap3A_585], %broadcast_in_dim3A_35 {strides = array<i32>} : memref<256x128xf32, #tpu.memory_space<vmem>>, vector<16xf32>,
      %add3A_587 = arith.constant 13 : i32
      %add3A_588 = arith.addi %mul3A_52, %add3A_587 : i32
      %swap3A_589 = arith.index_cast %add3A_588 : i32 to index
      %swap3A_590 = arith.constant 48 : index
      %swap3A_591 = tpu.vector_load %arg7[%swap3A_589, %swap3A_590] {strides = array<i32>} : memref<256x128xf32, #tpu.memory_space<vmem>>, vector<16xf32>,
      tpu.vector_store %arg7[%swap3A_589, %swap3A_590], %broadcast_in_dim3A_35 {strides = array<i32>} : memref<256x128xf32, #tpu.memory_space<vmem>>, vector<16xf32>,
      %add3A_592 = arith.constant 13 : i32
      %add3A_593 = arith.addi %mul3A_52, %add3A_592 : i32
      %swap3A_594 = arith.index_cast %add3A_593 : i32 to index
      %swap3A_595 = arith.constant 64 : index
      %swap3A_596 = tpu.vector_load %arg7[%swap3A_594, %swap3A_595] {strides = array<i32>} : memref<256x128xf32, #tpu.memory_space<vmem>>, vector<16xf32>,
      tpu.vector_store %arg7[%swap3A_594, %swap3A_595], %broadcast_in_dim3A_35 {strides = array<i32>} : memref<256x128xf32, #tpu.memory_space<vmem>>, vector<16xf32>,
      %add3A_597 = arith.constant 13 : i32
      %add3A_598 = arith.addi %mul3A_52, %add3A_597 : i32
      %swap3A_599 = arith.index_cast %add3A_598 : i32 to index
      %swap3A_600 = arith.constant 80 : index
      %swap3A_601 = tpu.vector_load %arg7[%swap3A_599, %swap3A_600] {strides = array<i32>} : memref<256x128xf32, #tpu.memory_space<vmem>>, vector<16xf32>,
      tpu.vector_store %arg7[%swap3A_599, %swap3A_600], %broadcast_in_dim3A_35 {strides = array<i32>} : memref<256x128xf32, #tpu.memory_space<vmem>>, vector<16xf32>,
      %add3A_602 = arith.constant 13 : i32
      %add3A_603 = arith.addi %mul3A_52, %add3A_602 : i32
      %swap3A_604 = arith.index_cast %add3A_603 : i32 to index
      %swap3A_605 = arith.constant 96 : index
      %swap3A_606 = tpu.vector_load %arg7[%swap3A_604, %swap3A_605] {strides = array<i32>} : memref<256x128xf32, #tpu.memory_space<vmem>>, vector<16xf32>,
      tpu.vector_store %arg7[%swap3A_604, %swap3A_605], %broadcast_in_dim3A_35 {strides = array<i32>} : memref<256x128xf32, #tpu.memory_space<vmem>>, vector<16xf32>,
      %add3A_607 = arith.constant 13 : i32
      %add3A_608 = arith.addi %mul3A_52, %add3A_607 : i32
      %swap3A_609 = arith.index_cast %add3A_608 : i32 to index
      %swap3A_610 = arith.constant 112 : index
      %swap3A_611 = tpu.vector_load %arg7[%swap3A_609, %swap3A_610] {strides = array<i32>} : memref<256x128xf32, #tpu.memory_space<vmem>>, vector<16xf32>,
      tpu.vector_store %arg7[%swap3A_609, %swap3A_610], %broadcast_in_dim3A_35 {strides = array<i32>} : memref<256x128xf32, #tpu.memory_space<vmem>>, vector<16xf32>,
      %add3A_612 = arith.constant 14 : i32
      %add3A_613 = arith.addi %mul3A_52, %add3A_612 : i32
      %swap3A_614 = arith.index_cast %add3A_613 : i32 to index
      %swap3A_615 = arith.constant 0 : index
      %swap3A_616 = tpu.vector_load %arg7[%swap3A_614, %swap3A_615] {strides = array<i32>} : memref<256x128xf32, #tpu.memory_space<vmem>>, vector<16xf32>,
      tpu.vector_store %arg7[%swap3A_614, %swap3A_615], %broadcast_in_dim3A_35 {strides = array<i32>} : memref<256x128xf32, #tpu.memory_space<vmem>>, vector<16xf32>,
      %add3A_617 = arith.constant 14 : i32
      %add3A_618 = arith.addi %mul3A_52, %add3A_617 : i32
      %swap3A_619 = arith.index_cast %add3A_618 : i32 to index
      %swap3A_620 = arith.constant 16 : index
      %swap3A_621 = tpu.vector_load %arg7[%swap3A_619, %swap3A_620] {strides = array<i32>} : memref<256x128xf32, #tpu.memory_space<vmem>>, vector<16xf32>,
      tpu.vector_store %arg7[%swap3A_619, %swap3A_620], %broadcast_in_dim3A_35 {strides = array<i32>} : memref<256x128xf32, #tpu.memory_space<vmem>>, vector<16xf32>,
      %add3A_622 = arith.constant 14 : i32
      %add3A_623 = arith.addi %mul3A_52, %add3A_622 : i32
      %swap3A_624 = arith.index_cast %add3A_623 : i32 to index
      %swap3A_625 = arith.constant 32 : index
      %swap3A_626 = tpu.vector_load %arg7[%swap3A_624, %swap3A_625] {strides = array<i32>} : memref<256x128xf32, #tpu.memory_space<vmem>>, vector<16xf32>,
      tpu.vector_store %arg7[%swap3A_624, %swap3A_625], %broadcast_in_dim3A_35 {strides = array<i32>} : memref<256x128xf32, #tpu.memory_space<vmem>>, vector<16xf32>,
      %add3A_627 = arith.constant 14 : i32
      %add3A_628 = arith.addi %mul3A_52, %add3A_627 : i32
      %swap3A_629 = arith.index_cast %add3A_628 : i32 to index
      %swap3A_630 = arith.constant 48 : index
      %swap3A_631 = tpu.vector_load %arg7[%swap3A_629, %swap3A_630] {strides = array<i32>} : memref<256x128xf32, #tpu.memory_space<vmem>>, vector<16xf32>,
      tpu.vector_store %arg7[%swap3A_629, %swap3A_630], %broadcast_in_dim3A_35 {strides = array<i32>} : memref<256x128xf32, #tpu.memory_space<vmem>>, vector<16xf32>,
      %add3A_632 = arith.constant 14 : i32
      %add3A_633 = arith.addi %mul3A_52, %add3A_632 : i32
      %swap3A_634 = arith.index_cast %add3A_633 : i32 to index
      %swap3A_635 = arith.constant 64 : index
      %swap3A_636 = tpu.vector_load %arg7[%swap3A_634, %swap3A_635] {strides = array<i32>} : memref<256x128xf32, #tpu.memory_space<vmem>>, vector<16xf32>,
      tpu.vector_store %arg7[%swap3A_634, %swap3A_635], %broadcast_in_dim3A_35 {strides = array<i32>} : memref<256x128xf32, #tpu.memory_space<vmem>>, vector<16xf32>,
      %add3A_637 = arith.constant 14 : i32
      %add3A_638 = arith.addi %mul3A_52, %add3A_637 : i32
      %swap3A_639 = arith.index_cast %add3A_638 : i32 to index
      %swap3A_640 = arith.constant 80 : index
      %swap3A_641 = tpu.vector_load %arg7[%swap3A_639, %swap3A_640] {strides = array<i32>} : memref<256x128xf32, #tpu.memory_space<vmem>>, vector<16xf32>,
      tpu.vector_store %arg7[%swap3A_639, %swap3A_640], %broadcast_in_dim3A_35 {strides = array<i32>} : memref<256x128xf32, #tpu.memory_space<vmem>>, vector<16xf32>,
      %add3A_642 = arith.constant 14 : i32
      %add3A_643 = arith.addi %mul3A_52, %add3A_642 : i32
      %swap3A_644 = arith.index_cast %add3A_643 : i32 to index
      %swap3A_645 = arith.constant 96 : index
      %swap3A_646 = tpu.vector_load %arg7[%swap3A_644, %swap3A_645] {strides = array<i32>} : memref<256x128xf32, #tpu.memory_space<vmem>>, vector<16xf32>,
      tpu.vector_store %arg7[%swap3A_644, %swap3A_645], %broadcast_in_dim3A_35 {strides = array<i32>} : memref<256x128xf32, #tpu.memory_space<vmem>>, vector<16xf32>,
      %add3A_647 = arith.constant 14 : i32
      %add3A_648 = arith.addi %mul3A_52, %add3A_647 : i32
      %swap3A_649 = arith.index_cast %add3A_648 : i32 to index
      %swap3A_650 = arith.constant 112 : index
      %swap3A_651 = tpu.vector_load %arg7[%swap3A_649, %swap3A_650] {strides = array<i32>} : memref<256x128xf32, #tpu.memory_space<vmem>>, vector<16xf32>,
      tpu.vector_store %arg7[%swap3A_649, %swap3A_650], %broadcast_in_dim3A_35 {strides = array<i32>} : memref<256x128xf32, #tpu.memory_space<vmem>>, vector<16xf32>,
      %add3A_652 = arith.constant 15 : i32
      %add3A_653 = arith.addi %mul3A_52, %add3A_652 : i32
      %swap3A_654 = arith.index_cast %add3A_653 : i32 to index
      %swap3A_655 = arith.constant 0 : index
      %swap3A_656 = tpu.vector_load %arg7[%swap3A_654, %swap3A_655] {strides = array<i32>} : memref<256x128xf32, #tpu.memory_space<vmem>>, vector<16xf32>,
      tpu.vector_store %arg7[%swap3A_654, %swap3A_655], %broadcast_in_dim3A_35 {strides = array<i32>} : memref<256x128xf32, #tpu.memory_space<vmem>>, vector<16xf32>,
      %add3A_657 = arith.constant 15 : i32
      %add3A_658 = arith.addi %mul3A_52, %add3A_657 : i32
      %swap3A_659 = arith.index_cast %add3A_658 : i32 to index
      %swap3A_660 = arith.constant 16 : index
      %swap3A_661 = tpu.vector_load %arg7[%swap3A_659, %swap3A_660] {strides = array<i32>} : memref<256x128xf32, #tpu.memory_space<vmem>>, vector<16xf32>,
      tpu.vector_store %arg7[%swap3A_659, %swap3A_660], %broadcast_in_dim3A_35 {strides = array<i32>} : memref<256x128xf32, #tpu.memory_space<vmem>>, vector<16xf32>,
      %add3A_662 = arith.constant 15 : i32
      %add3A_663 = arith.addi %mul3A_52, %add3A_662 : i32
      %swap3A_664 = arith.index_cast %add3A_663 : i32 to index
      %swap3A_665 = arith.constant 32 : index
      %swap3A_666 = tpu.vector_load %arg7[%swap3A_664, %swap3A_665] {strides = array<i32>} : memref<256x128xf32, #tpu.memory_space<vmem>>, vector<16xf32>,
      tpu.vector_store %arg7[%swap3A_664, %swap3A_665], %broadcast_in_dim3A_35 {strides = array<i32>} : memref<256x128xf32, #tpu.memory_space<vmem>>, vector<16xf32>,
      %add3A_667 = arith.constant 15 : i32
      %add3A_668 = arith.addi %mul3A_52, %add3A_667 : i32
      %swap3A_669 = arith.index_cast %add3A_668 : i32 to index
      %swap3A_670 = arith.constant 48 : index
      %swap3A_671 = tpu.vector_load %arg7[%swap3A_669, %swap3A_670] {strides = array<i32>} : memref<256x128xf32, #tpu.memory_space<vmem>>, vector<16xf32>,
      tpu.vector_store %arg7[%swap3A_669, %swap3A_670], %broadcast_in_dim3A_35 {strides = array<i32>} : memref<256x128xf32, #tpu.memory_space<vmem>>, vector<16xf32>,
      %add3A_672 = arith.constant 15 : i32
      %add3A_673 = arith.addi %mul3A_52, %add3A_672 : i32
      %swap3A_674 = arith.index_cast %add3A_673 : i32 to index
      %swap3A_675 = arith.constant 64 : index
      %swap3A_676 = tpu.vector_load %arg7[%swap3A_674, %swap3A_675] {strides = array<i32>} : memref<256x128xf32, #tpu.memory_space<vmem>>, vector<16xf32>,
      tpu.vector_store %arg7[%swap3A_674, %swap3A_675], %broadcast_in_dim3A_35 {strides = array<i32>} : memref<256x128xf32, #tpu.memory_space<vmem>>, vector<16xf32>,
      %add3A_677 = arith.constant 15 : i32
      %add3A_678 = arith.addi %mul3A_52, %add3A_677 : i32
      %swap3A_679 = arith.index_cast %add3A_678 : i32 to index
      %swap3A_680 = arith.constant 80 : index
      %swap3A_681 = tpu.vector_load %arg7[%swap3A_679, %swap3A_680] {strides = array<i32>} : memref<256x128xf32, #tpu.memory_space<vmem>>, vector<16xf32>,
      tpu.vector_store %arg7[%swap3A_679, %swap3A_680], %broadcast_in_dim3A_35 {strides = array<i32>} : memref<256x128xf32, #tpu.memory_space<vmem>>, vector<16xf32>,
      %add3A_682 = arith.constant 15 : i32
      %add3A_683 = arith.addi %mul3A_52, %add3A_682 : i32
      %swap3A_684 = arith.index_cast %add3A_683 : i32 to index
      %swap3A_685 = arith.constant 96 : index
      %swap3A_686 = tpu.vector_load %arg7[%swap3A_684, %swap3A_685] {strides = array<i32>} : memref<256x128xf32, #tpu.memory_space<vmem>>, vector<16xf32>,
      tpu.vector_store %arg7[%swap3A_684, %swap3A_685], %broadcast_in_dim3A_35 {strides = array<i32>} : memref<256x128xf32, #tpu.memory_space<vmem>>, vector<16xf32>,
      %add3A_687 = arith.constant 15 : i32
      %add3A_688 = arith.addi %mul3A_52, %add3A_687 : i32
      %swap3A_689 = arith.index_cast %add3A_688 : i32 to index
      %swap3A_690 = arith.constant 112 : index
      %swap3A_691 = tpu.vector_load %arg7[%swap3A_689, %swap3A_690] {strides = array<i32>} : memref<256x128xf32, #tpu.memory_space<vmem>>, vector<16xf32>,
      tpu.vector_store %arg7[%swap3A_689, %swap3A_690], %broadcast_in_dim3A_35 {strides = array<i32>} : memref<256x128xf32, #tpu.memory_space<vmem>>, vector<16xf32>,
      %scan3A_692 = arith.constant 0 : i32
      scf.yield %scan3A_692 : i32
    }
    %scan3A_41 = arith.constant 16 : i32
    %iota3A = tpu.iota {dimensions = array<i32: 0>} : vector<16xi32>
    %scan3A_42 = arith.constant 0 : i32
    %scan3A_43 = arith.constant 0 : i32
    %scan3A_44 = arith.constant 20 : i32
    %scan3A_45 = arith.addi %scan3A_43, %scan3A_44 : i32
    %scan3A_46 = arith.constant 1 : i32
    %scan3A_47 = scf.for %scan3A_49 = %scan3A_43 to %scan3A_45 step %scan3A_46 iter_args(%scan3A_50 = %scan3A_42) -> (i32)  : i32 {
      %get3A = arith.index_cast %scan3A_49 : i32 to index
      %get3A_51 = arith.constant 0 : index
      %get3A_52 = tpu.vector_load %arg5[%get3A, %get3A_51] {strides = array<i32>} : memref<20x128xi32, #tpu.memory_space<vmem>>, vector<16xi32>,
      %sub3A_53 = vector.broadcast %mul3A_11 : i32 to vector<16xi32>
      %sub3A_54 = arith.subi %get3A_52, %sub3A_53 : vector<16xi32>
      %ge3A = vector.broadcast %mul3A_11 : i32 to vector<16xi32>
      %ge3A_55 = arith.cmpi sge, %get3A_52, %ge3A : vector<16xi32>
      %lt3A_56 = arith.constant 256 : i32
      %lt3A_57 = vector.broadcast %lt3A_56 : i32 to vector<16xi32>
      %lt3A_58 = arith.cmpi slt, %sub3A_54, %lt3A_57 : vector<16xi32>
      %and3A_59 = arith.andi %ge3A_55, %lt3A_58 : vector<16xi1>
      %add3A_60 = arith.constant 0 : i32
      %add3A_61 = vector.broadcast %add3A_60 : i32 to vector<16xi32>
      %add3A_62 = arith.addi %iota3A, %add3A_61 : vector<16xi32>
      %get3A_63 = arith.index_cast %scan3A_49 : i32 to index
      %get3A_64 = arith.constant 0 : index
      %get3A_65 = tpu.vector_load %arg6[%get3A_63, %get3A_64] {strides = array<i32>} : memref<20x128xf32, #tpu.memory_space<vmem>>, vector<16xf32>,
      tpu.vector_store_idx %arg7[%sub3A_54, %add3A_62], %get3A_65 masked %and3A_59 {add = true} : memref<256x128xf32, #tpu.memory_space<vmem>>[vector<16xi32>, vector<16xi32>], vector<16xf32>, vector<16xi1>
      %get3A_66 = arith.index_cast %scan3A_49 : i32 to index
      %get3A_67 = arith.constant 16 : index
      %get3A_68 = tpu.vector_load %arg5[%get3A_66, %get3A_67] {strides = array<i32>} : memref<20x128xi32, #tpu.memory_space<vmem>>, vector<16xi32>,
      %sub3A_69 = vector.broadcast %mul3A_11 : i32 to vector<16xi32>
      %sub3A_70 = arith.subi %get3A_68, %sub3A_69 : vector<16xi32>
      %ge3A_71 = vector.broadcast %mul3A_11 : i32 to vector<16xi32>
      %ge3A_72 = arith.cmpi sge, %get3A_68, %ge3A_71 : vector<16xi32>
      %lt3A_73 = arith.constant 256 : i32
      %lt3A_74 = vector.broadcast %lt3A_73 : i32 to vector<16xi32>
      %lt3A_75 = arith.cmpi slt, %sub3A_70, %lt3A_74 : vector<16xi32>
      %and3A_76 = arith.andi %ge3A_72, %lt3A_75 : vector<16xi1>
      %add3A_77 = arith.constant 16 : i32
      %add3A_78 = vector.broadcast %add3A_77 : i32 to vector<16xi32>
      %add3A_79 = arith.addi %iota3A, %add3A_78 : vector<16xi32>
      %get3A_80 = arith.index_cast %scan3A_49 : i32 to index
      %get3A_81 = arith.constant 16 : index
      %get3A_82 = tpu.vector_load %arg6[%get3A_80, %get3A_81] {strides = array<i32>} : memref<20x128xf32, #tpu.memory_space<vmem>>, vector<16xf32>,
      tpu.vector_store_idx %arg7[%sub3A_70, %add3A_79], %get3A_82 masked %and3A_76 {add = true} : memref<256x128xf32, #tpu.memory_space<vmem>>[vector<16xi32>, vector<16xi32>], vector<16xf32>, vector<16xi1>
      %get3A_83 = arith.index_cast %scan3A_49 : i32 to index
      %get3A_84 = arith.constant 32 : index
      %get3A_85 = tpu.vector_load %arg5[%get3A_83, %get3A_84] {strides = array<i32>} : memref<20x128xi32, #tpu.memory_space<vmem>>, vector<16xi32>,
      %sub3A_86 = vector.broadcast %mul3A_11 : i32 to vector<16xi32>
      %sub3A_87 = arith.subi %get3A_85, %sub3A_86 : vector<16xi32>
      %ge3A_88 = vector.broadcast %mul3A_11 : i32 to vector<16xi32>
      %ge3A_89 = arith.cmpi sge, %get3A_85, %ge3A_88 : vector<16xi32>
      %lt3A_90 = arith.constant 256 : i32
      %lt3A_91 = vector.broadcast %lt3A_90 : i32 to vector<16xi32>
      %lt3A_92 = arith.cmpi slt, %sub3A_87, %lt3A_91 : vector<16xi32>
      %and3A_93 = arith.andi %ge3A_89, %lt3A_92 : vector<16xi1>
      %add3A_94 = arith.constant 32 : i32
      %add3A_95 = vector.broadcast %add3A_94 : i32 to vector<16xi32>
      %add3A_96 = arith.addi %iota3A, %add3A_95 : vector<16xi32>
      %get3A_97 = arith.index_cast %scan3A_49 : i32 to index
      %get3A_98 = arith.constant 32 : index
      %get3A_99 = tpu.vector_load %arg6[%get3A_97, %get3A_98] {strides = array<i32>} : memref<20x128xf32, #tpu.memory_space<vmem>>, vector<16xf32>,
      tpu.vector_store_idx %arg7[%sub3A_87, %add3A_96], %get3A_99 masked %and3A_93 {add = true} : memref<256x128xf32, #tpu.memory_space<vmem>>[vector<16xi32>, vector<16xi32>], vector<16xf32>, vector<16xi1>
      %get3A_100 = arith.index_cast %scan3A_49 : i32 to index
      %get3A_101 = arith.constant 48 : index
      %get3A_102 = tpu.vector_load %arg5[%get3A_100, %get3A_101] {strides = array<i32>} : memref<20x128xi32, #tpu.memory_space<vmem>>, vector<16xi32>,
      %sub3A_103 = vector.broadcast %mul3A_11 : i32 to vector<16xi32>
      %sub3A_104 = arith.subi %get3A_102, %sub3A_103 : vector<16xi32>
      %ge3A_105 = vector.broadcast %mul3A_11 : i32 to vector<16xi32>
      %ge3A_106 = arith.cmpi sge, %get3A_102, %ge3A_105 : vector<16xi32>
      %lt3A_107 = arith.constant 256 : i32
      %lt3A_108 = vector.broadcast %lt3A_107 : i32 to vector<16xi32>
      %lt3A_109 = arith.cmpi slt, %sub3A_104, %lt3A_108 : vector<16xi32>
      %and3A_110 = arith.andi %ge3A_106, %lt3A_109 : vector<16xi1>
      %add3A_111 = arith.constant 48 : i32
      %add3A_112 = vector.broadcast %add3A_111 : i32 to vector<16xi32>
      %add3A_113 = arith.addi %iota3A, %add3A_112 : vector<16xi32>
      %get3A_114 = arith.index_cast %scan3A_49 : i32 to index
      %get3A_115 = arith.constant 48 : index
      %get3A_116 = tpu.vector_load %arg6[%get3A_114, %get3A_115] {strides = array<i32>} : memref<20x128xf32, #tpu.memory_space<vmem>>, vector<16xf32>,
      tpu.vector_store_idx %arg7[%sub3A_104, %add3A_113], %get3A_116 masked %and3A_110 {add = true} : memref<256x128xf32, #tpu.memory_space<vmem>>[vector<16xi32>, vector<16xi32>], vector<16xf32>, vector<16xi1>
      %get3A_117 = arith.index_cast %scan3A_49 : i32 to index
      %get3A_118 = arith.constant 64 : index
      %get3A_119 = tpu.vector_load %arg5[%get3A_117, %get3A_118] {strides = array<i32>} : memref<20x128xi32, #tpu.memory_space<vmem>>, vector<16xi32>,
      %sub3A_120 = vector.broadcast %mul3A_11 : i32 to vector<16xi32>
      %sub3A_121 = arith.subi %get3A_119, %sub3A_120 : vector<16xi32>
      %ge3A_122 = vector.broadcast %mul3A_11 : i32 to vector<16xi32>
      %ge3A_123 = arith.cmpi sge, %get3A_119, %ge3A_122 : vector<16xi32>
      %lt3A_124 = arith.constant 256 : i32
      %lt3A_125 = vector.broadcast %lt3A_124 : i32 to vector<16xi32>
      %lt3A_126 = arith.cmpi slt, %sub3A_121, %lt3A_125 : vector<16xi32>
      %and3A_127 = arith.andi %ge3A_123, %lt3A_126 : vector<16xi1>
      %add3A_128 = arith.constant 64 : i32
      %add3A_129 = vector.broadcast %add3A_128 : i32 to vector<16xi32>
      %add3A_130 = arith.addi %iota3A, %add3A_129 : vector<16xi32>
      %get3A_131 = arith.index_cast %scan3A_49 : i32 to index
      %get3A_132 = arith.constant 64 : index
      %get3A_133 = tpu.vector_load %arg6[%get3A_131, %get3A_132] {strides = array<i32>} : memref<20x128xf32, #tpu.memory_space<vmem>>, vector<16xf32>,
      tpu.vector_store_idx %arg7[%sub3A_121, %add3A_130], %get3A_133 masked %and3A_127 {add = true} : memref<256x128xf32, #tpu.memory_space<vmem>>[vector<16xi32>, vector<16xi32>], vector<16xf32>, vector<16xi1>
      %get3A_134 = arith.index_cast %scan3A_49 : i32 to index
      %get3A_135 = arith.constant 80 : index
      %get3A_136 = tpu.vector_load %arg5[%get3A_134, %get3A_135] {strides = array<i32>} : memref<20x128xi32, #tpu.memory_space<vmem>>, vector<16xi32>,
      %sub3A_137 = vector.broadcast %mul3A_11 : i32 to vector<16xi32>
      %sub3A_138 = arith.subi %get3A_136, %sub3A_137 : vector<16xi32>
      %ge3A_139 = vector.broadcast %mul3A_11 : i32 to vector<16xi32>
      %ge3A_140 = arith.cmpi sge, %get3A_136, %ge3A_139 : vector<16xi32>
      %lt3A_141 = arith.constant 256 : i32
      %lt3A_142 = vector.broadcast %lt3A_141 : i32 to vector<16xi32>
      %lt3A_143 = arith.cmpi slt, %sub3A_138, %lt3A_142 : vector<16xi32>
      %and3A_144 = arith.andi %ge3A_140, %lt3A_143 : vector<16xi1>
      %add3A_145 = arith.constant 80 : i32
      %add3A_146 = vector.broadcast %add3A_145 : i32 to vector<16xi32>
      %add3A_147 = arith.addi %iota3A, %add3A_146 : vector<16xi32>
      %get3A_148 = arith.index_cast %scan3A_49 : i32 to index
      %get3A_149 = arith.constant 80 : index
      %get3A_150 = tpu.vector_load %arg6[%get3A_148, %get3A_149] {strides = array<i32>} : memref<20x128xf32, #tpu.memory_space<vmem>>, vector<16xf32>,
      tpu.vector_store_idx %arg7[%sub3A_138, %add3A_147], %get3A_150 masked %and3A_144 {add = true} : memref<256x128xf32, #tpu.memory_space<vmem>>[vector<16xi32>, vector<16xi32>], vector<16xf32>, vector<16xi1>
      %get3A_151 = arith.index_cast %scan3A_49 : i32 to index
      %get3A_152 = arith.constant 96 : index
      %get3A_153 = tpu.vector_load %arg5[%get3A_151, %get3A_152] {strides = array<i32>} : memref<20x128xi32, #tpu.memory_space<vmem>>, vector<16xi32>,
      %sub3A_154 = vector.broadcast %mul3A_11 : i32 to vector<16xi32>
      %sub3A_155 = arith.subi %get3A_153, %sub3A_154 : vector<16xi32>
      %ge3A_156 = vector.broadcast %mul3A_11 : i32 to vector<16xi32>
      %ge3A_157 = arith.cmpi sge, %get3A_153, %ge3A_156 : vector<16xi32>
      %lt3A_158 = arith.constant 256 : i32
      %lt3A_159 = vector.broadcast %lt3A_158 : i32 to vector<16xi32>
      %lt3A_160 = arith.cmpi slt, %sub3A_155, %lt3A_159 : vector<16xi32>
      %and3A_161 = arith.andi %ge3A_157, %lt3A_160 : vector<16xi1>
      %add3A_162 = arith.constant 96 : i32
      %add3A_163 = vector.broadcast %add3A_162 : i32 to vector<16xi32>
      %add3A_164 = arith.addi %iota3A, %add3A_163 : vector<16xi32>
      %get3A_165 = arith.index_cast %scan3A_49 : i32 to index
      %get3A_166 = arith.constant 96 : index
      %get3A_167 = tpu.vector_load %arg6[%get3A_165, %get3A_166] {strides = array<i32>} : memref<20x128xf32, #tpu.memory_space<vmem>>, vector<16xf32>,
      tpu.vector_store_idx %arg7[%sub3A_155, %add3A_164], %get3A_167 masked %and3A_161 {add = true} : memref<256x128xf32, #tpu.memory_space<vmem>>[vector<16xi32>, vector<16xi32>], vector<16xf32>, vector<16xi1>
      %get3A_168 = arith.index_cast %scan3A_49 : i32 to index
      %get3A_169 = arith.constant 112 : index
      %get3A_170 = tpu.vector_load %arg5[%get3A_168, %get3A_169] {strides = array<i32>} : memref<20x128xi32, #tpu.memory_space<vmem>>, vector<16xi32>,
      %sub3A_171 = vector.broadcast %mul3A_11 : i32 to vector<16xi32>
      %sub3A_172 = arith.subi %get3A_170, %sub3A_171 : vector<16xi32>
      %ge3A_173 = vector.broadcast %mul3A_11 : i32 to vector<16xi32>
      %ge3A_174 = arith.cmpi sge, %get3A_170, %ge3A_173 : vector<16xi32>
      %lt3A_175 = arith.constant 256 : i32
      %lt3A_176 = vector.broadcast %lt3A_175 : i32 to vector<16xi32>
      %lt3A_177 = arith.cmpi slt, %sub3A_172, %lt3A_176 : vector<16xi32>
      %and3A_178 = arith.andi %ge3A_174, %lt3A_177 : vector<16xi1>
      %add3A_179 = arith.constant 112 : i32
      %add3A_180 = vector.broadcast %add3A_179 : i32 to vector<16xi32>
      %add3A_181 = arith.addi %iota3A, %add3A_180 : vector<16xi32>
      %get3A_182 = arith.index_cast %scan3A_49 : i32 to index
      %get3A_183 = arith.constant 112 : index
      %get3A_184 = tpu.vector_load %arg6[%get3A_182, %get3A_183] {strides = array<i32>} : memref<20x128xf32, #tpu.memory_space<vmem>>, vector<16xf32>,
      tpu.vector_store_idx %arg7[%sub3A_172, %add3A_181], %get3A_184 masked %and3A_178 {add = true} : memref<256x128xf32, #tpu.memory_space<vmem>>[vector<16xi32>, vector<16xi32>], vector<16xf32>, vector<16xi1>
      %scan3A_185 = arith.constant 0 : i32
      scf.yield %scan3A_185 : i32
    }
    %scan3A_48 = arith.constant 20 : i32
    "tpu.region"() ({
      %run_scoped3A = tpu.sem_alloc : memref<!tpu.dma_semaphore, #tpu.memory_space<semaphore_mem>>
      %dma_start3A = tpu.memref_slice %arg4[%mul3A_11, %mul3A_34] : memref<1024x1024xf32, #tpu.memory_space<hbm>> -> memref<256x128xf32, #tpu.memory_space<hbm>>
      %dma_start3A_49 = tpu.memref_slice %arg4[%mul3A_11, %mul3A_34] : memref<1024x1024xf32, #tpu.memory_space<hbm>> -> memref<256x128xf32, #tpu.memory_space<hbm>>
      tpu.enqueue_dma source(%arg7 : memref<256x128xf32, #tpu.memory_space<vmem>>) target(%dma_start3A_49 : memref<256x128xf32, #tpu.memory_space<hbm>>) target_semaphore(%run_scoped3A : memref<!tpu.dma_semaphore, #tpu.memory_space<semaphore_mem>>)
      %dma_wait3A = tpu.memref_slice %arg4[%mul3A_11, %mul3A_34] : memref<1024x1024xf32, #tpu.memory_space<hbm>> -> memref<256x128xf32, #tpu.memory_space<hbm>>
      %dma_wait3A_50 = tpu.memref_slice %arg4[%mul3A_11, %mul3A_34] : memref<1024x1024xf32, #tpu.memory_space<hbm>> -> memref<256x128xf32, #tpu.memory_space<hbm>>
      tpu.wait_dma2 semaphore(%run_scoped3A : memref<!tpu.dma_semaphore, #tpu.memory_space<semaphore_mem>>) src(%arg7 : memref<256x128xf32, #tpu.memory_space<vmem>>) dst(%dma_wait3A_50 : memref<256x128xf32, #tpu.memory_space<hbm>>)
      tpu.yield
    }) : () -> ()
    return
  }
}

module attributes {stable_mosaic.version = 14 : i64} {
  func.func @_tc_body(%arg0: i32, %arg1: memref<1024x256xf32, #tpu.memory_space<vmem>>, %arg2: memref<20x256xf32, #tpu.memory_space<vmem>>, %arg3: memref<64x1001xf32, #tpu.memory_space<vmem>>, %arg4: memref<1000x1024xbf16, #tpu.memory_space<vmem>>, %arg5: memref<1000xf32, #tpu.memory_space<vmem>>, %arg6: memref<64x256xf32, #tpu.memory_space<vmem>>, %arg7: memref<256xf32, #tpu.memory_space<vmem>>, %arg8: memref<256x128xf32, #tpu.memory_space<vmem>>, %arg9: memref<128xf32, #tpu.memory_space<vmem>>, %arg10: memref<1000x128xf32, #tpu.memory_space<vmem>>, %arg11: memref<1000xf32, #tpu.memory_space<vmem>>, %arg12: memref<1000x256xf32, #tpu.memory_space<vmem>>) attributes {dimension_semantics = [#tpu.dimension_semantics<arbitrary>], iteration_bounds = array<i64: 4>, scalar_prefetch = 0 : i64, scratch_operands = 0 : i64, tpu.core_type = #tpu.core_type<tc>, window_params = [{transform_indices = @transform_0, window_bounds = array<i64: 1024, 256>}, {transform_indices = @transform_1, window_bounds = array<i64: 20, 256>}, {pipeline_mode = #tpu.pipeline_mode<synchronous>, transform_indices = @transform_2, window_bounds = array<i64: 64, 1001>}, {pipeline_mode = #tpu.pipeline_mode<synchronous>, transform_indices = @transform_3, window_bounds = array<i64: 1000, 1024>}, {pipeline_mode = #tpu.pipeline_mode<synchronous>, transform_indices = @transform_4, window_bounds = array<i64: 1000>}, {pipeline_mode = #tpu.pipeline_mode<synchronous>, transform_indices = @transform_5, window_bounds = array<i64: 64, 256>}, {pipeline_mode = #tpu.pipeline_mode<synchronous>, transform_indices = @transform_6, window_bounds = array<i64: 256>}, {pipeline_mode = #tpu.pipeline_mode<synchronous>, transform_indices = @transform_7, window_bounds = array<i64: 256, 128>}, {pipeline_mode = #tpu.pipeline_mode<synchronous>, transform_indices = @transform_8, window_bounds = array<i64: 128>}, {pipeline_mode = #tpu.pipeline_mode<synchronous>, transform_indices = @transform_9, window_bounds = array<i64: 1000, 128>}, {pipeline_mode = #tpu.pipeline_mode<synchronous>, transform_indices = @transform_10, window_bounds = array<i64: 1000>}, {transform_indices = @transform_11, window_bounds = array<i64: 1000, 256>}]} {
    %get3A = arith.constant 0 : index
    %get3A_0 = arith.constant 0 : index
    %get3A_1 = vector.load %arg2[%get3A, %get3A_0] : memref<20x256xf32, #tpu.memory_space<vmem>>, vector<20x256xf32>
    %get3A_2 = arith.constant 0 : index
    %get3A_3 = arith.constant 0 : index
    %get3A_4 = vector.load %arg1[%get3A_2, %get3A_3] : memref<1024x256xf32, #tpu.memory_space<vmem>>, vector<1024x256xf32>
    %convert_element_type3A = arith.truncf %get3A_4 : vector<1024x256xf32> to vector<1024x256xbf16>
    %reduce_sum3A = arith.constant dense<0.000000e+00> : vector<256xf32>
    %reduce_sum3A_5 = vector.multi_reduction <add>, %get3A_1, %reduce_sum3A [0] : vector<20x256xf32> to vector<256xf32>
    %broadcast_in_dim3A = vector.shape_cast %reduce_sum3A_5 : vector<256xf32> to vector<1x256xf32>
    %jit3A = arith.constant 1.000000e+00 : f32
    %max3A = vector.broadcast %jit3A : f32 to vector<1x256xf32>
    %max3A_6 = arith.maximumf %max3A, %broadcast_in_dim3A : vector<1x256xf32>
    %get3A_7 = arith.constant 0 : index
    %get3A_8 = arith.constant 0 : index
    %get3A_9 = vector.load %arg3[%get3A_7, %get3A_8] : memref<64x1001xf32, #tpu.memory_space<vmem>>, vector<64x1001xf32>
    %convert_element_type3A_10 = arith.truncf %get3A_9 : vector<64x1001xf32> to vector<64x1001xbf16>
    %broadcast_in_dim3A_11 = arith.constant 0.000000e+00 : bf16
    %broadcast_in_dim3A_12 = vector.broadcast %broadcast_in_dim3A_11 : bf16 to vector<64x23xbf16>
    %concatenate3A = tpu.concatenate %convert_element_type3A_10, %broadcast_in_dim3A_12 in 1 : vector<64x1001xbf16>, vector<64x23xbf16> -> vector<64x1024xbf16>
    %dot_general3A = arith.constant dense<0.000000e+00> : vector<64x256xf32>
    %dot_general3A_13 = tpu.matmul %concatenate3A, %convert_element_type3A, %dot_general3A {dimension_numbers = #tpu.dot_dimension_numbers<[1], [0], [0], [1], [0, 0, 1, 1], [], []>, transpose_lhs_hint = false} : vector<64x1024xbf16>, vector<1024x256xbf16>, vector<64x256xf32> -> vector<64x256xf32>
    %div3A = vector.broadcast %max3A_6 : vector<1x256xf32> to vector<64x256xf32>
    %div3A_14 = arith.divf %dot_general3A_13, %div3A : vector<64x256xf32>
    %get3A_15 = arith.constant 0 : index
    %get3A_16 = arith.constant 0 : index
    %get3A_17 = vector.load %arg4[%get3A_15, %get3A_16] : memref<1000x1024xbf16, #tpu.memory_space<vmem>>, vector<1000x1024xbf16>
    %dot_general3A_18 = arith.constant dense<0.000000e+00> : vector<1000x256xf32>
    %dot_general3A_19 = tpu.matmul %get3A_17, %convert_element_type3A, %dot_general3A_18 {dimension_numbers = #tpu.dot_dimension_numbers<[1], [0], [0], [1], [0, 0, 1, 1], [], []>, transpose_lhs_hint = false} : vector<1000x1024xbf16>, vector<1024x256xbf16>, vector<1000x256xf32> -> vector<1000x256xf32>
    %get3A_20 = arith.constant 0 : index
    %get3A_21 = vector.load %arg5[%get3A_20] : memref<1000xf32, #tpu.memory_space<vmem>>, vector<1000xf32>
    %broadcast_in_dim3A_22 = vector.shape_cast %get3A_21 : vector<1000xf32> to vector<1000x1xf32>
    %add3A = vector.broadcast %broadcast_in_dim3A_22 : vector<1000x1xf32> to vector<1000x256xf32>
    %add3A_23 = arith.addf %dot_general3A_19, %add3A : vector<1000x256xf32>
    %get3A_24 = arith.constant 0 : index
    %get3A_25 = arith.constant 0 : index
    %get3A_26 = vector.load %arg3[%get3A_24, %get3A_25] : memref<64x1001xf32, #tpu.memory_space<vmem>>, vector<64x1000xf32>
    %dot_general3A_27 = arith.constant dense<0.000000e+00> : vector<1000x256xf32>
    %dot_general3A_28 = tpu.matmul %get3A_26, %div3A_14, %dot_general3A_27 {dimension_numbers = #tpu.dot_dimension_numbers<[0], [0], [1], [1], [0, 1, 1, 1], [], []>, transpose_lhs_hint = false} : vector<64x1000xf32>, vector<64x256xf32>, vector<1000x256xf32> -> vector<1000x256xf32>
    %get3A_29 = arith.constant 0 : index
    %get3A_30 = arith.constant 0 : index
    %get3A_31 = vector.load %arg6[%get3A_29, %get3A_30] : memref<64x256xf32, #tpu.memory_space<vmem>>, vector<64x256xf32>
    %dot_general3A_32 = arith.constant dense<0.000000e+00> : vector<256x256xf32>
    %dot_general3A_33 = tpu.matmul %get3A_31, %div3A_14, %dot_general3A_32 {dimension_numbers = #tpu.dot_dimension_numbers<[0], [0], [1], [1], [0, 1, 1, 1], [], []>, transpose_lhs_hint = false} : vector<64x256xf32>, vector<64x256xf32>, vector<256x256xf32> -> vector<256x256xf32>
    %get3A_34 = arith.constant 0 : index
    %get3A_35 = vector.load %arg7[%get3A_34] : memref<256xf32, #tpu.memory_space<vmem>>, vector<256xf32>
    %broadcast_in_dim3A_36 = vector.shape_cast %get3A_35 : vector<256xf32> to vector<256x1xf32>
    %add3A_37 = vector.broadcast %broadcast_in_dim3A_36 : vector<256x1xf32> to vector<256x256xf32>
    %add3A_38 = arith.addf %dot_general3A_33, %add3A_37 : vector<256x256xf32>
    %max3A_39 = arith.constant 0.000000e+00 : f32
    %max3A_40 = vector.broadcast %max3A_39 : f32 to vector<256x256xf32>
    %max3A_41 = arith.maximumf %add3A_38, %max3A_40 : vector<256x256xf32>
    %get3A_42 = arith.constant 0 : index
    %get3A_43 = arith.constant 0 : index
    %get3A_44 = vector.load %arg8[%get3A_42, %get3A_43] : memref<256x128xf32, #tpu.memory_space<vmem>>, vector<256x128xf32>
    %dot_general3A_45 = arith.constant dense<0.000000e+00> : vector<128x256xf32>
    %dot_general3A_46 = tpu.matmul %get3A_44, %max3A_41, %dot_general3A_45 {dimension_numbers = #tpu.dot_dimension_numbers<[0], [0], [1], [1], [0, 1, 1, 1], [], []>, transpose_lhs_hint = false} : vector<256x128xf32>, vector<256x256xf32>, vector<128x256xf32> -> vector<128x256xf32>
    %get3A_47 = arith.constant 0 : index
    %get3A_48 = vector.load %arg9[%get3A_47] : memref<128xf32, #tpu.memory_space<vmem>>, vector<128xf32>
    %broadcast_in_dim3A_49 = vector.shape_cast %get3A_48 : vector<128xf32> to vector<128x1xf32>
    %add3A_50 = vector.broadcast %broadcast_in_dim3A_49 : vector<128x1xf32> to vector<128x256xf32>
    %add3A_51 = arith.addf %dot_general3A_46, %add3A_50 : vector<128x256xf32>
    %max3A_52 = arith.constant 0.000000e+00 : f32
    %max3A_53 = vector.broadcast %max3A_52 : f32 to vector<128x256xf32>
    %max3A_54 = arith.maximumf %add3A_51, %max3A_53 : vector<128x256xf32>
    %get3A_55 = arith.constant 0 : index
    %get3A_56 = arith.constant 0 : index
    %get3A_57 = vector.load %arg10[%get3A_55, %get3A_56] : memref<1000x128xf32, #tpu.memory_space<vmem>>, vector<1000x128xf32>
    %dot_general3A_58 = arith.constant dense<0.000000e+00> : vector<1000x256xf32>
    %dot_general3A_59 = tpu.matmul %get3A_57, %max3A_54, %dot_general3A_58 {dimension_numbers = #tpu.dot_dimension_numbers<[1], [0], [0], [1], [0, 0, 1, 1], [], []>, transpose_lhs_hint = false} : vector<1000x128xf32>, vector<128x256xf32>, vector<1000x256xf32> -> vector<1000x256xf32>
    %get3A_60 = arith.constant 0 : index
    %get3A_61 = vector.load %arg11[%get3A_60] : memref<1000xf32, #tpu.memory_space<vmem>>, vector<1000xf32>
    %broadcast_in_dim3A_62 = vector.shape_cast %get3A_61 : vector<1000xf32> to vector<1000x1xf32>
    %add3A_63 = vector.broadcast %broadcast_in_dim3A_62 : vector<1000x1xf32> to vector<1000x256xf32>
    %add3A_64 = arith.addf %dot_general3A_59, %add3A_63 : vector<1000x256xf32>
    %add3A_65 = arith.addf %add3A_23, %dot_general3A_28 : vector<1000x256xf32>
    %add3A_66 = arith.addf %add3A_65, %add3A_64 : vector<1000x256xf32>
    %logistic3A = arith.negf %add3A_66 : vector<1000x256xf32>
    %logistic3A_67 = math.exp %logistic3A : vector<1000x256xf32>
    %logistic3A_68 = arith.constant 1.000000e+00 : f32
    %logistic3A_69 = vector.broadcast %logistic3A_68 : f32 to vector<1000x256xf32>
    %logistic3A_70 = arith.addf %logistic3A_69, %logistic3A_67 : vector<1000x256xf32>
    %logistic3A_71 = arith.divf %logistic3A_69, %logistic3A_70 : vector<1000x256xf32>
    %swap3A = arith.constant 0 : index
    %swap3A_72 = arith.constant 0 : index
    %swap3A_73 = vector.load %arg12[%swap3A, %swap3A_72] : memref<1000x256xf32, #tpu.memory_space<vmem>>, vector<1000x256xf32>
    tpu.vector_store %arg12[%swap3A, %swap3A_72], %logistic3A_71 {strides = array<i32>} : memref<1000x256xf32, #tpu.memory_space<vmem>>, vector<1000x256xf32>,
    return
  }
  func.func @transform_0(%arg0: i32) -> (i32, i32) {
    %c0_i32 = arith.constant 0 : i32
    %c0_i32_0 = arith.constant 0 : i32
    return %c0_i32, %arg0 : i32, i32
  }
  func.func @transform_1(%arg0: i32) -> (i32, i32) {
    %c0_i32 = arith.constant 0 : i32
    %c0_i32_0 = arith.constant 0 : i32
    return %c0_i32, %arg0 : i32, i32
  }
  func.func @transform_2(%arg0: i32) -> (i32, i32) {
    %c0_i32 = arith.constant 0 : i32
    %c0_i32_0 = arith.constant 0 : i32
    %c0_i32_1 = arith.constant 0 : i32
    return %c0_i32, %c0_i32_0 : i32, i32
  }
  func.func @transform_3(%arg0: i32) -> (i32, i32) {
    %c0_i32 = arith.constant 0 : i32
    %c0_i32_0 = arith.constant 0 : i32
    %c0_i32_1 = arith.constant 0 : i32
    return %c0_i32, %c0_i32_0 : i32, i32
  }
  func.func @transform_4(%arg0: i32) -> i32 {
    %c0_i32 = arith.constant 0 : i32
    %c0_i32_0 = arith.constant 0 : i32
    return %c0_i32 : i32
  }
  func.func @transform_5(%arg0: i32) -> (i32, i32) {
    %c0_i32 = arith.constant 0 : i32
    %c0_i32_0 = arith.constant 0 : i32
    %c0_i32_1 = arith.constant 0 : i32
    return %c0_i32, %c0_i32_0 : i32, i32
  }
  func.func @transform_6(%arg0: i32) -> i32 {
    %c0_i32 = arith.constant 0 : i32
    %c0_i32_0 = arith.constant 0 : i32
    return %c0_i32 : i32
  }
  func.func @transform_7(%arg0: i32) -> (i32, i32) {
    %c0_i32 = arith.constant 0 : i32
    %c0_i32_0 = arith.constant 0 : i32
    %c0_i32_1 = arith.constant 0 : i32
    return %c0_i32, %c0_i32_0 : i32, i32
  }
  func.func @transform_8(%arg0: i32) -> i32 {
    %c0_i32 = arith.constant 0 : i32
    %c0_i32_0 = arith.constant 0 : i32
    return %c0_i32 : i32
  }
  func.func @transform_9(%arg0: i32) -> (i32, i32) {
    %c0_i32 = arith.constant 0 : i32
    %c0_i32_0 = arith.constant 0 : i32
    %c0_i32_1 = arith.constant 0 : i32
    return %c0_i32, %c0_i32_0 : i32, i32
  }
  func.func @transform_10(%arg0: i32) -> i32 {
    %c0_i32 = arith.constant 0 : i32
    %c0_i32_0 = arith.constant 0 : i32
    return %c0_i32 : i32
  }
  func.func @transform_11(%arg0: i32) -> (i32, i32) {
    %c0_i32 = arith.constant 0 : i32
    %c0_i32_0 = arith.constant 0 : i32
    return %c0_i32, %arg0 : i32, i32
  }
}

</mosaic_0001>

<sc_bundles>
// kernel: kernel.4.cloned.1.call-start
scs
__scs_entry_jumppad:
0x0: {  	(pc) =	sbr.rel $0x88, $3  }
0x1: {  	(tag) =	ssettag $0x0;
	lr =	simm.s32 $0x1  }
0x2: {  	[smem:$0x3F96] =	sst lr;
	_ =	strace $0xD0000000  }
0x3: {  	_ = 	snop  }
0x4: {  	_ = 	snop  }
0x5: {  	_ = 	snop  }
0x6: {  	_ = 	snop  }
0x7: {  	_ = 	snop  }
__scs_overlays_trampoline_lowered:
0x8: {  	[smem:$0x3FA5] =	sst s0  }
0x9: {  	[smem:$0x3FA6] =	sst s1  }
0xa: {  	[smem:$0x3FA7] =	sst s2  }
0xb: {  	[smem:$0x3FA8] =	sst s3  }
0xc: {  	[smem:$0x3FA9] =	sst s4  }
0xd: {  	[smem:$0x3FAA] =	sst s5  }
0xe: {  	[smem:$0x3FAB] =	sst s6  }
0xf: {  	[smem:$0x3FAC] =	sst s7  }
0x10: {  	[smem:$0x3FAD] =	sst s8  }
0x11: {  	[smem:$0x3FAE] =	sst s9;
	s0 =	simm.s32 @!p0 $0x0  }
0x12: {  	s1 =	sld [smem:$0x3F94];
	s0 =	simm.s32 @p0 $0x1  }
0x13: {  	[smem:$0x3FAF] =	sst s0;
	s0 =	simm.s32 @!p1 $0x0  }
0x14: {  	s2 =	sld [smem:$0x3F93];
	s0 =	simm.s32 @p1 $0x1  }
0x15: {  	[smem:$0x3FB0] =	sst s0;
	s0 =	simm.s32 @!p2 $0x0  }
0x16: {  	s3 =	sld [smem:$0x3FDB];
	s0 =	simm.s32 @p2 $0x1  }
0x17: {  	s4 =	simm.s32 $0x1BF5;
	[smem:$0x3FB2] =	sst s0  }
0x18: {  	s0 =	sld [smem:$0x3F95];
	_ =	swait.ge [sflag:s4], $0x0  }
0x19: {  	s7 =	sld [smem:$0x3F96]  }
0x1a: {  	s8 =	sadd.s32 $0xFFFFE003, lr  }
0x1b: {  	s9 =	sadd.s32 $0xFFFFFEF7, lr;
	s5 =	simm.s32 $0xFFFFFFFF;
	p2 =	slt.u32 s8, $0xFFFFF086  }
0x1c: {  	p1 =	slt.u32 s9, $0xF7A;
	s5 =	simm.s32 @!p2 $0x0  }
0x1d: {  	s5 =	simm.s32 @p1 $0x1;
	p0 =	seq.s32 s7, s2  }
0x1e: {  	s7 =	smul.u32 @!p0 $0xF7A, s2;
	p2 =	seq.s32 @!p0 s5, $0x0  }
0x1f: {  	s9 =	smul.u32 $0xF7A, s1;
	s8 =	simm.s32 @!p0 $0x1BF5;
	p2 =	por !p2, p0  }
0x20: {  	[sflag:s8] =	ssyncset.s32 @!p0 $0xFFFFF086;
	s6 =	sadd.s32 @!p0 s3, s7;
	s7 =	simm.s32 @!p0 $0x108  }
0x21: {  	s3 =	sadd.s32 s3, s9;
	s6 =	sadd.s32 @!p0 $0x88, s6;
	s7 =	simm.s32 @p2 $0x1082  }
0x22: {  	[simem:s7], [sflag:s8] =	dma.local @!p0 [hbm:s6], $0xF7A  }
0x23: {  	s9 =	sor.u32 $0xD0000000, s2;
	s6 =	simm.s32 $0x108;
	_ =	swait.ge @!p0 [sflag:s8], $0x0  }
0x24: {  	s3 =	sadd.s32 $0x88, s3;
	s6 =	simm.s32 @!p1 $0x1082;
	[sflag:s4] =	ssyncset.s32 $0xFFFFF086  }
0x25: {  	[simem:s6], [sflag:s4] =	dma.local [hbm:s3], $0xF7A  }
0x26: {  	[smem:$0x3F96] =	sst s1;
	(tag) =	ssettag s2;
	_ =	strace s9  }
0x27: {  	s1 =	sld [smem:$0x3FA6]  }
0x28: {  	s2 =	sld [smem:$0x3FA7]  }
0x29: {  	s4 =	sld [smem:$0x3FA9]  }
0x2a: {  	p0 =	seq.s32 s5, $0x0;
	s5 =	sld [smem:$0x3FAA]  }
0x2b: {  	s6 =	sld [smem:$0x3FAB]  }
0x2c: {  	s7 =	sld [smem:$0x3FAC]  }
0x2d: {  	s3 =	simm.s32 $0x108;
	s8 =	sld [smem:$0x3FAD]  }
0x2e: {  	s3 =	simm.s32 @!p0 $0x1082;
	s9 =	sld [smem:$0x3FAE]  }
0x2f: {  	lr =	sadd.s32 s0, s3;
	s0 =	sld [smem:$0x3FA5]  }
0x30: {  	s3 =	sld [smem:$0x3FA8]  }
0x31: {  	[smem:$0x3FB1] =	sst s10  }
0x32: {  	s10 =	sld [smem:$0x3FAF];
	_ =	sdelay $0x3  }
0x33: {  	p0 =	seq.s32 s10, $0x1;
	s10 =	sld [smem:$0x3FB1];
	_ =	sdelay $0x3  }
0x34: {  	[smem:$0x3FB1] =	sst s10  }
0x35: {  	s10 =	sld [smem:$0x3FB0];
	_ =	sdelay $0x3  }
0x36: {  	p1 =	seq.s32 s10, $0x1;
	s10 =	sld [smem:$0x3FB1];
	_ =	sdelay $0x3  }
0x37: {  	[smem:$0x3FB1] =	sst s10  }
0x38: {  	s10 =	sld [smem:$0x3FB2]  }
0x39: {  	_ = 	snop;
	(pc) =	sbr.ind lr, $3  }
0x3a: {  	_ = 	snop  }
0x3b: {  	_ = 	snop  }
0x3c: {  	p2 =	seq.s32 s10, $0x1;
	s10 =	sld [smem:$0x3FB1]  }
0x3d: {  	_ =	shalt  }
0x3e: {  	_ =	shalt  }
0x3f: {  	_ =	shalt  }
0x40: {  	_ =	shalt  }
0x41: {  	_ =	shalt  }
0x42: {  	_ =	shalt  }
0x43: {  	_ =	shalt  }
0x44: {  	_ =	shalt  }
0x45: {  	_ =	shalt  }
0x46: {  	_ =	shalt  }
0x47: {  	_ =	shalt  }
0x48: {  	_ =	shalt  }
0x49: {  	_ =	shalt  }
0x4a: {  	_ =	shalt  }
0x4b: {  	_ =	shalt  }
0x4c: {  	_ =	shalt  }
0x4d: {  	_ =	shalt  }
0x4e: {  	_ =	shalt  }
0x4f: {  	_ =	shalt  }
0x50: {  	_ =	shalt  }
0x51: {  	_ =	shalt  }
0x52: {  	_ =	shalt  }
0x53: {  	_ =	shalt  }
0x54: {  	_ =	shalt  }
0x55: {  	_ =	shalt  }
0x56: {  	_ =	shalt  }
0x57: {  	_ =	shalt  }
0x58: {  	_ =	shalt  }
0x59: {  	_ =	shalt  }
0x5a: {  	_ =	shalt  }
0x5b: {  	_ =	shalt  }
0x5c: {  	_ =	shalt  }
0x5d: {  	_ =	shalt  }
0x5e: {  	_ =	shalt  }
0x5f: {  	_ =	shalt  }
0x60: {  	_ =	shalt  }
0x61: {  	_ =	shalt  }
0x62: {  	_ =	shalt  }
0x63: {  	_ =	shalt  }
0x64: {  	_ =	shalt  }
0x65: {  	_ =	shalt  }
0x66: {  	_ =	shalt  }
0x67: {  	_ =	shalt  }
0x68: {  	_ =	shalt  }
0x69: {  	_ =	shalt  }
0x6a: {  	_ =	shalt  }
0x6b: {  	_ =	shalt  }
0x6c: {  	_ =	shalt  }
0x6d: {  	_ =	shalt  }
0x6e: {  	_ =	shalt  }
0x6f: {  	_ =	shalt  }
0x70: {  	_ =	shalt  }
0x71: {  	_ =	shalt  }
0x72: {  	_ =	shalt  }
0x73: {  	_ =	shalt  }
0x74: {  	_ =	shalt  }
0x75: {  	_ =	shalt  }
0x76: {  	_ =	shalt  }
0x77: {  	_ =	shalt  }
0x78: {  	_ =	shalt  }
0x79: {  	_ =	shalt  }
0x7a: {  	_ =	shalt  }
0x7b: {  	_ =	shalt  }
0x7c: {  	_ =	shalt  }
0x7d: {  	_ =	shalt  }
0x7e: {  	_ =	shalt  }
0x7f: {  	_ =	shalt  }
0x80: {  	_ =	shalt  }
0x81: {  	_ =	shalt  }
0x82: {  	_ =	shalt  }
0x83: {  	_ =	shalt  }
0x84: {  	_ =	shalt  }
0x85: {  	_ =	shalt  }
0x86: {  	_ =	shalt  }
0x87: {  	_ =	shalt  }
.Lfunc_end0:
.L_simem_size_0:
called_computation_lowered:
.L_overlay_start_0:
0x88: {  	s2 =	sld [smem:$0x3FD9]  }
0x89: {  	s3 =	sld [smem:$0x3FFE];
	_ =	sdelay $0x1  }
0x8a: {  	s1 =	srdreg.scid  }
0x8b: {  	s0 =	sand.u32 $0x1, s1  }
0x8c: {  	s17 =	sshll.u32 s0, $0xA;
	s2 =	sadd.s32 s3, s2  }
0x8d: {  	s2 =	sadd.s32 s2, s17  }
0x8e: {  	[smem:$0x3FBD] =	sst s2  }
0x8f: {  	_ = 	snop  }
0x90: {  	s2 =	sld [smem:$0x3FC9]  }
0x91: {  	s18 =	sld [smem:$0x3FC8];
	(tm) =	ssettm $0x1  }
0x92: {  	s4 =	sld [smem:$0x3FFB];
	_ =	sdelay $0x3  }
0x93: {  	_ =	strace s4  }
0x94: {  	s4 =	sld [smem:$0x3FFC];
	_ =	sdelay $0x3  }
0x95: {  	_ =	strace s4  }
0x96: {  	s4 =	sld [smem:$0x3FFD];
	_ =	sdelay $0x3  }
0x97: {  	_ =	strace s4  }
0x98: {  	_ =	strace $0x8FFFFFFF  }
0x99: {  	s19 =	sld [smem:$0x3FDB];
	_ =	sdelay $0x1  }
0x9a: {  	s5 =	simm.s32 $_scs_section_size  }
0x9b: {  	s6 =	simm.s32 $_size__tile_overlayer_lowered;
	s7 =	simm.s32 $_tile_overlayer_lowered  }
0x9c: {  	s22 =	simm.s32 $0x1BFF;
	s21 =	sshll.u32 s7, $0x1;
	s4 =	sadd.s32 s5, s19  }
0x9d: {  	s8 =	simm.s32 $0x0;
	s20 =	sshll.u32 s6, $0x1;
	s6 =	sadd.s32 s21, s4  }
0x9e: {  	[timem:s8], [sflag:s22] =	dma.local [hbm:s6], s20  }
0x9f: {  	_ =	swait.ge [sflag:s22], s20  }
0xa0: {  	s5 =	ssub.s32 $0x0, s20;
	[sflag:s22] =	ssyncset.done $0x0  }
0xa1: {  	[sflag:s22] =	ssyncadd.s32 s5;
	_ =	sdelay $0x1  }
0xa2: {  	s23 =	simm.s32 $0x1B8B  }
0xa3: {  	_ =	swait.ge [sflag:s23], $0x1  }
0xa4: {  	[sflag:s23] =	ssyncset.done $0x0  }
0xa5: {  	s25 =	simm.s32 $0x1B8E;
	s24 =	sld [smem:$0x3FFE];
	[sflag:s23] =	ssyncadd.s32 $0xFFFFFFFF  }
0xa6: {  	s26 =	simm.s32 $execute0_lowered;
	[smem:$0x3FD2] =	sst s25  }
0xa7: {  	s6 =	sshll.u32 s26, $0x1;
	_ =	strace $0x80000046;
	[dreg:$0x1] =	wrdreg $0xFFFFFFFF  }
0xa8: {  	s28 =	simm.s32 $_size_execute0_lowered;
	s4 =	sadd.s32 s4, s6;
	[dreg:$0x0] =	wrdreg $0x0  }
0xa9: {  	s6 =	sshll.u32 s28, $0x1;
	[dreg:$0x2] =	wrdreg s4  }
0xaa: {  	[dreg:$0x3] =	wrdreg s6  }
0xab: {  	[dreg:$0x4] =	wrdreg $0xC0  }
0xac: {  	_ =	task [dreg:s8], $0x5FFFF  }
0xad: {  	[dreg:$0x1] =	wrdreg $0xFFFFFFFF  }
0xae: {  	[dreg:$0x0] =	wrdreg $0x60  }
0xaf: {  	[dreg:$0x2] =	wrdreg s2  }
0xb0: {  	[dreg:$0x3] =	wrdreg s18  }
0xb1: {  	[dreg:$0x4] =	wrdreg s24  }
0xb2: {  	[dreg:$0x5] =	wrdreg $0x9  }
0xb3: {  	_ =	task.clear_ibuf [dreg:s8], $0x6FFFF;
	_ =	strace $0x90000046  }
0xb4: {  	s29 =	simm.s32 $0x9;
	_ =	strace $0x80000048  }
0xb5: {  	_ =	swait.ge [sflag:s29], $0x1  }
0xb6: {  	[sflag:s29] =	ssyncadd.s32 $0xFFFFFFFF  }
0xb7: {  	_ =	strace $0x90000048  }
0xb8: {  	_ =	sfence  }
0xb9: {  	s30 =	sld [smem:$0x0];
	_ =	sdelay $0x2  }
0xba: {  	s31 =	sshll.u32 s1, $0xD;
	s1 =	sshrl.u32 s1, $0x2  }
0xbb: {  	s3 =	sand.u32 $0x4000, s31;
	s1 =	sadd.s32 s1, s30  }
0xbc: {  	s0 =	sor.u32 s3, s0;
	s1 =	sshll.u32 s1, $0x11  }
0xbd: {  	s0 =	sor.u32 s1, s0  }
0xbe: {  	s0 =	sadd.s32 $0x8F2B, s0  }
0xbf: {  	[sflag:s0] =	ssyncadd.remote.s32 $0x1  }
0xc0: {  	_ =	sfence.sel $0xFFFF  }
0xc1: {  	[dreg:$0x0] =	wrdreg $0xFFFFFFFF;
	(pc) =	sbr.abs _section_cstart, $3  }
0xc2: {  	[dreg:$0x1] =	wrdreg $0xFFFFFFFF  }
0xc3: {  	_ =	task.clear_ibuf [dreg:s8], $0x2FFFF;
	_ =	strace $0x9FFFFFFF  }
0xc4: {  	(tm) =	ssettm $0x7FFFFFFF  }
0xc5: {  	_ =	shalt  }
tec
execute0_lowered:
.L_overlay_start_1:
0x0: {  	(tag) =	ssettag $0x1  }
0x1: {  	s3 =	rddreg [dreg:$0x0]  }
0x2: {  	s5 =	rddreg [dreg:$0x1]  }
0x3: {  	s4 =	rddreg [dreg:$0x2];
	s1 =	stileid.u32  }
0x4: {  	s0 =	rddreg [dreg:$0x3];
	s6 =	srdreg.scid  }
0x5: {  	s2 =	simm.s32 $0x0;
	s11 =	simm.s32 $0x1;
	s12 =	simm.s32 $0xC00  }
0x6: {  	s14 =	simm.s32 $0x1400;
	s15 =	simm.s32 $0x1800;
	s7 =	sshll.u32 s1, $0x1  }
0x7: {  	s16 =	simm.s32 $0x0;
	s6 =	sand.u32 $0x1, s6;
	s7 =	sand.u32 $0x2, s7  }
0x8: {  	[smem:$0x7FF] =	sst s2;
	s31 =	sshrl.u32 s1, $0x1;
	s7 =	sor.u32 s6, s7  }
0x9: {  	_ =	strace $0x80000047;
	s6 =	ssub.s32 $0x2, s6;
	s8 =	sshll.u32 s7, $0x8  }
0xa: {  	s7 =	sshll.u32 s31, $0x7;
	s10 =	sshrl.u32 s6, $0x1;
	s9 =	sor.u32 s31, s8  }
0xb: {  	v0 =	vlaneseq.u32;
	s3 =	sadd.s32 s3, s7;
	s10 =	ssub.s32 s6, s10;
	s5 =	sadd.s32 s5, s7  }
0xc: {  	v2 =	vimm.f32 $0.0e+00;
	v3 =	vor.u32 $0x10, v0;
	v1 =	vmov s8;
	s8 =	simm.s32 $0x400;
	s9 =	sshll.u32 s9, $0x7;
	s7 =	smax.u32 s10, $0x1  }
0xd: {  	v4 =	vor.u32 $0x20, v0;
	v5 =	vor.u32 $0x30, v0;
	v6 =	vor.u32 $0x40, v0;
	s10 =	simm.s32 $0x800;
	s13 =	sadd.s32 $0x800, s5;
	s9 =	sadd.s32 s9, s4  }
0xe: {  	v7 =	vor.u32 $0x50, v0;
	v8 =	vor.u32 $0x60, v0;
	v9 =	vor.u32 $0x70, v0;
	s4 =	sadd.s32 $0x800, s3;
	s6 =	sadd.s32 $0x600, s9;
	s9 =	simm.s32 $0x2000  }
.LBB2_1:
0xf: {  	[tilespmem:s2], [sflag:$0x1] =	stream.strided.gather [hbm4b:s3+s8], $0x800, s9, s8, $0x38;
	[tilespmem:$0x9800] =	vst v63  }
0x10: {  	_ = 	snop  }
0x11: {  	[tilespmem:s10], [sflag:$0x1] =	stream.linear.gather [hbm4b:s4+s2], $0x200, $0x38;
	[tilespmem:$0x9800] =	vst v63  }
0x12: {  	_ =	swait.ge [sflag:s11], $0xA00  }
0x13: {  	[sflag:s11] =	ssyncset.done $0x0  }
0x14: {  	[sflag:s11] =	ssyncadd.s32 $0xFFFFF600  }
0x15: {  	[tilespmem:s12], [sflag:$0x1] =	stream.strided.gather [hbm4b:s5+s8], $0x800, s9, s8, $0x38;
	[tilespmem:$0x9800] =	vst v63  }
0x16: {  	_ = 	snop  }
0x17: {  	[tilespmem:s14], [sflag:$0x1] =	stream.linear.gather [hbm4b:s13+s2], $0x200, $0x38;
	[tilespmem:$0x9800] =	vst v63  }
0x18: {  	_ =	swait.ge [sflag:s11], $0xA00  }
0x19: {  	[sflag:s11] =	ssyncset.done $0x0  }
0x1a: {  	s17 =	simm.s32 $0x0;
	s18 =	simm.s32 $0x2000;
	[sflag:s11] =	ssyncadd.s32 $0xFFFFF600  }
.LBB2_2:
0x1b: {  	p0 =	sne.s32 s18, $0x1E000;
	[tilespmem:s17+$0x1FF0] =	vst v2  }
0x1c: {  	[tilespmem:s17+$0x1800] =	vst v2  }
0x1d: {  	[tilespmem:s17+$0x1810] =	vst v2  }
0x1e: {  	[tilespmem:s17+$0x1820] =	vst v2  }
0x1f: {  	[tilespmem:s17+$0x1830] =	vst v2  }
0x20: {  	[tilespmem:s17+$0x1840] =	vst v2  }
0x21: {  	[tilespmem:s17+$0x1850] =	vst v2  }
0x22: {  	[tilespmem:s17+$0x1860] =	vst v2  }
0x23: {  	[tilespmem:s17+$0x1870] =	vst v2  }
0x24: {  	[tilespmem:s17+$0x1880] =	vst v2  }
0x25: {  	[tilespmem:s17+$0x1890] =	vst v2  }
0x26: {  	[tilespmem:s17+$0x18A0] =	vst v2  }
0x27: {  	[tilespmem:s17+$0x18B0] =	vst v2  }
0x28: {  	[tilespmem:s17+$0x18C0] =	vst v2  }
0x29: {  	[tilespmem:s17+$0x18D0] =	vst v2  }
0x2a: {  	[tilespmem:s17+$0x18E0] =	vst v2  }
0x2b: {  	[tilespmem:s17+$0x18F0] =	vst v2  }
0x2c: {  	[tilespmem:s17+$0x1900] =	vst v2  }
0x2d: {  	[tilespmem:s17+$0x1910] =	vst v2  }
0x2e: {  	[tilespmem:s17+$0x1920] =	vst v2  }
0x2f: {  	[tilespmem:s17+$0x1930] =	vst v2  }
0x30: {  	[tilespmem:s17+$0x1940] =	vst v2  }
0x31: {  	[tilespmem:s17+$0x1950] =	vst v2  }
0x32: {  	[tilespmem:s17+$0x1960] =	vst v2  }
0x33: {  	[tilespmem:s17+$0x1970] =	vst v2  }
0x34: {  	[tilespmem:s17+$0x1980] =	vst v2  }
0x35: {  	[tilespmem:s17+$0x1990] =	vst v2  }
0x36: {  	[tilespmem:s17+$0x19A0] =	vst v2  }
0x37: {  	[tilespmem:s17+$0x19B0] =	vst v2  }
0x38: {  	[tilespmem:s17+$0x19C0] =	vst v2  }
0x39: {  	[tilespmem:s17+$0x19D0] =	vst v2  }
0x3a: {  	[tilespmem:s17+$0x19E0] =	vst v2  }
0x3b: {  	[tilespmem:s17+$0x19F0] =	vst v2  }
0x3c: {  	[tilespmem:s17+$0x1A00] =	vst v2  }
0x3d: {  	[tilespmem:s17+$0x1A10] =	vst v2  }
0x3e: {  	[tilespmem:s17+$0x1A20] =	vst v2  }
0x3f: {  	[tilespmem:s17+$0x1A30] =	vst v2  }
0x40: {  	[tilespmem:s17+$0x1A40] =	vst v2  }
0x41: {  	[tilespmem:s17+$0x1A50] =	vst v2  }
0x42: {  	[tilespmem:s17+$0x1A60] =	vst v2  }
0x43: {  	[tilespmem:s17+$0x1A70] =	vst v2  }
0x44: {  	[tilespmem:s17+$0x1A80] =	vst v2  }
0x45: {  	[tilespmem:s17+$0x1A90] =	vst v2  }
0x46: {  	[tilespmem:s17+$0x1AA0] =	vst v2  }
0x47: {  	[tilespmem:s17+$0x1AB0] =	vst v2  }
0x48: {  	[tilespmem:s17+$0x1AC0] =	vst v2  }
0x49: {  	[tilespmem:s17+$0x1AD0] =	vst v2  }
0x4a: {  	[tilespmem:s17+$0x1AE0] =	vst v2  }
0x4b: {  	[tilespmem:s17+$0x1AF0] =	vst v2  }
0x4c: {  	[tilespmem:s17+$0x1B00] =	vst v2  }
0x4d: {  	[tilespmem:s17+$0x1B10] =	vst v2  }
0x4e: {  	[tilespmem:s17+$0x1B20] =	vst v2  }
0x4f: {  	[tilespmem:s17+$0x1B30] =	vst v2  }
0x50: {  	[tilespmem:s17+$0x1B40] =	vst v2  }
0x51: {  	[tilespmem:s17+$0x1B50] =	vst v2  }
0x52: {  	[tilespmem:s17+$0x1B60] =	vst v2  }
0x53: {  	[tilespmem:s17+$0x1B70] =	vst v2  }
0x54: {  	[tilespmem:s17+$0x1B80] =	vst v2  }
0x55: {  	[tilespmem:s17+$0x1B90] =	vst v2  }
0x56: {  	[tilespmem:s17+$0x1BA0] =	vst v2  }
0x57: {  	[tilespmem:s17+$0x1BB0] =	vst v2  }
0x58: {  	[tilespmem:s17+$0x1BC0] =	vst v2  }
0x59: {  	[tilespmem:s17+$0x1BD0] =	vst v2  }
0x5a: {  	[tilespmem:s17+$0x1BE0] =	vst v2  }
0x5b: {  	[tilespmem:s17+$0x1BF0] =	vst v2  }
0x5c: {  	[tilespmem:s17+$0x1C00] =	vst v2  }
0x5d: {  	[tilespmem:s17+$0x1C10] =	vst v2  }
0x5e: {  	[tilespmem:s17+$0x1C20] =	vst v2  }
0x5f: {  	[tilespmem:s17+$0x1C30] =	vst v2  }
0x60: {  	[tilespmem:s17+$0x1C40] =	vst v2  }
0x61: {  	[tilespmem:s17+$0x1C50] =	vst v2  }
0x62: {  	[tilespmem:s17+$0x1C60] =	vst v2  }
0x63: {  	[tilespmem:s17+$0x1C70] =	vst v2  }
0x64: {  	[tilespmem:s17+$0x1C80] =	vst v2  }
0x65: {  	[tilespmem:s17+$0x1C90] =	vst v2  }
0x66: {  	[tilespmem:s17+$0x1CA0] =	vst v2  }
0x67: {  	[tilespmem:s17+$0x1CB0] =	vst v2  }
0x68: {  	[tilespmem:s17+$0x1CC0] =	vst v2  }
0x69: {  	[tilespmem:s17+$0x1CD0] =	vst v2  }
0x6a: {  	[tilespmem:s17+$0x1CE0] =	vst v2  }
0x6b: {  	[tilespmem:s17+$0x1CF0] =	vst v2  }
0x6c: {  	[tilespmem:s17+$0x1D00] =	vst v2  }
0x6d: {  	[tilespmem:s17+$0x1D10] =	vst v2  }
0x6e: {  	[tilespmem:s17+$0x1D20] =	vst v2  }
0x6f: {  	[tilespmem:s17+$0x1D30] =	vst v2  }
0x70: {  	[tilespmem:s17+$0x1D40] =	vst v2  }
0x71: {  	[tilespmem:s17+$0x1D50] =	vst v2  }
0x72: {  	[tilespmem:s17+$0x1D60] =	vst v2  }
0x73: {  	[tilespmem:s17+$0x1D70] =	vst v2  }
0x74: {  	[tilespmem:s17+$0x1D80] =	vst v2  }
0x75: {  	[tilespmem:s17+$0x1D90] =	vst v2  }
0x76: {  	[tilespmem:s17+$0x1DA0] =	vst v2  }
0x77: {  	[tilespmem:s17+$0x1DB0] =	vst v2  }
0x78: {  	[tilespmem:s17+$0x1DC0] =	vst v2  }
0x79: {  	[tilespmem:s17+$0x1DD0] =	vst v2  }
0x7a: {  	[tilespmem:s17+$0x1DE0] =	vst v2  }
0x7b: {  	[tilespmem:s17+$0x1DF0] =	vst v2  }
0x7c: {  	[tilespmem:s17+$0x1E00] =	vst v2  }
0x7d: {  	[tilespmem:s17+$0x1E10] =	vst v2  }
0x7e: {  	[tilespmem:s17+$0x1E20] =	vst v2  }
0x7f: {  	[tilespmem:s17+$0x1E30] =	vst v2  }
0x80: {  	[tilespmem:s17+$0x1E40] =	vst v2  }
0x81: {  	[tilespmem:s17+$0x1E50] =	vst v2  }
0x82: {  	[tilespmem:s17+$0x1E60] =	vst v2  }
0x83: {  	[tilespmem:s17+$0x1E70] =	vst v2  }
0x84: {  	[tilespmem:s17+$0x1E80] =	vst v2  }
0x85: {  	[tilespmem:s17+$0x1E90] =	vst v2  }
0x86: {  	[tilespmem:s17+$0x1EA0] =	vst v2  }
0x87: {  	[tilespmem:s17+$0x1EB0] =	vst v2  }
0x88: {  	[tilespmem:s17+$0x1EC0] =	vst v2  }
0x89: {  	[tilespmem:s17+$0x1ED0] =	vst v2  }
0x8a: {  	[tilespmem:s17+$0x1EE0] =	vst v2  }
0x8b: {  	[tilespmem:s17+$0x1EF0] =	vst v2  }
0x8c: {  	[tilespmem:s17+$0x1F00] =	vst v2  }
0x8d: {  	[tilespmem:s17+$0x1F10] =	vst v2  }
0x8e: {  	[tilespmem:s17+$0x1F20] =	vst v2  }
0x8f: {  	[tilespmem:s17+$0x1F30] =	vst v2  }
0x90: {  	[tilespmem:s17+$0x1F40] =	vst v2  }
0x91: {  	[tilespmem:s17+$0x1F50] =	vst v2  }
0x92: {  	[tilespmem:s17+$0x1F60] =	vst v2  }
0x93: {  	[tilespmem:s17+$0x1F70] =	vst v2  }
0x94: {  	[tilespmem:s17+$0x1F80] =	vst v2  }
0x95: {  	[tilespmem:s17+$0x1F90] =	vst v2  }
.Ltmp0:
0x96: {  	[tilespmem:s17+$0x1FA0] =	vst v2;
	(pc) =	sbr.rel @p0 .LBB2_2-.Ltmp0, $4  }
0x97: {  	[tilespmem:s17+$0x1FB0] =	vst v2  }
0x98: {  	[tilespmem:s17+$0x1FC0] =	vst v2  }
0x99: {  	[tilespmem:s17+$0x1FD0] =	vst v2  }
0x9a: {  	[tilespmem:s17+$0x1FE0] =	vst v2;
	s17 =	sshra.s32 s18, $0x2;
	s18 =	sadd.s32 $0x2000, s18  }
0x9b: {  	[tilespmem:s17+$0x1FF0] =	vst v2  }
0x9c: {  	[tilespmem:s17+$0x1800] =	vst v2  }
0x9d: {  	[tilespmem:s17+$0x1810] =	vst v2  }
0x9e: {  	[tilespmem:s17+$0x1820] =	vst v2  }
0x9f: {  	[tilespmem:s17+$0x1830] =	vst v2  }
0xa0: {  	[tilespmem:s17+$0x1840] =	vst v2  }
0xa1: {  	[tilespmem:s17+$0x1850] =	vst v2  }
0xa2: {  	[tilespmem:s17+$0x1860] =	vst v2  }
0xa3: {  	[tilespmem:s17+$0x1870] =	vst v2  }
0xa4: {  	[tilespmem:s17+$0x1880] =	vst v2  }
0xa5: {  	[tilespmem:s17+$0x1890] =	vst v2  }
0xa6: {  	[tilespmem:s17+$0x18A0] =	vst v2  }
0xa7: {  	[tilespmem:s17+$0x18B0] =	vst v2  }
0xa8: {  	[tilespmem:s17+$0x18C0] =	vst v2  }
0xa9: {  	[tilespmem:s17+$0x18D0] =	vst v2  }
0xaa: {  	[tilespmem:s17+$0x18E0] =	vst v2  }
0xab: {  	[tilespmem:s17+$0x18F0] =	vst v2  }
0xac: {  	[tilespmem:s17+$0x1900] =	vst v2  }
0xad: {  	[tilespmem:s17+$0x1910] =	vst v2  }
0xae: {  	[tilespmem:s17+$0x1920] =	vst v2  }
0xaf: {  	[tilespmem:s17+$0x1930] =	vst v2  }
0xb0: {  	[tilespmem:s17+$0x1940] =	vst v2  }
0xb1: {  	[tilespmem:s17+$0x1950] =	vst v2  }
0xb2: {  	[tilespmem:s17+$0x1960] =	vst v2  }
0xb3: {  	[tilespmem:s17+$0x1970] =	vst v2  }
0xb4: {  	[tilespmem:s17+$0x1980] =	vst v2  }
0xb5: {  	[tilespmem:s17+$0x1990] =	vst v2  }
0xb6: {  	[tilespmem:s17+$0x19A0] =	vst v2  }
0xb7: {  	[tilespmem:s17+$0x19B0] =	vst v2  }
0xb8: {  	[tilespmem:s17+$0x19C0] =	vst v2  }
0xb9: {  	[tilespmem:s17+$0x19D0] =	vst v2  }
0xba: {  	[tilespmem:s17+$0x19E0] =	vst v2  }
0xbb: {  	[tilespmem:s17+$0x19F0] =	vst v2  }
0xbc: {  	[tilespmem:s17+$0x1A00] =	vst v2  }
0xbd: {  	[tilespmem:s17+$0x1A10] =	vst v2  }
0xbe: {  	[tilespmem:s17+$0x1A20] =	vst v2  }
0xbf: {  	[tilespmem:s17+$0x1A30] =	vst v2  }
0xc0: {  	[tilespmem:s17+$0x1A40] =	vst v2  }
0xc1: {  	[tilespmem:s17+$0x1A50] =	vst v2  }
0xc2: {  	[tilespmem:s17+$0x1A60] =	vst v2  }
0xc3: {  	[tilespmem:s17+$0x1A70] =	vst v2  }
0xc4: {  	[tilespmem:s17+$0x1A80] =	vst v2  }
0xc5: {  	[tilespmem:s17+$0x1A90] =	vst v2  }
0xc6: {  	[tilespmem:s17+$0x1AA0] =	vst v2  }
0xc7: {  	[tilespmem:s17+$0x1AB0] =	vst v2  }
0xc8: {  	[tilespmem:s17+$0x1AC0] =	vst v2  }
0xc9: {  	[tilespmem:s17+$0x1AD0] =	vst v2  }
0xca: {  	[tilespmem:s17+$0x1AE0] =	vst v2  }
0xcb: {  	[tilespmem:s17+$0x1AF0] =	vst v2  }
0xcc: {  	[tilespmem:s17+$0x1B00] =	vst v2  }
0xcd: {  	[tilespmem:s17+$0x1B10] =	vst v2  }
0xce: {  	[tilespmem:s17+$0x1B20] =	vst v2  }
0xcf: {  	[tilespmem:s17+$0x1B30] =	vst v2  }
0xd0: {  	[tilespmem:s17+$0x1B40] =	vst v2  }
0xd1: {  	[tilespmem:s17+$0x1B50] =	vst v2  }
0xd2: {  	[tilespmem:s17+$0x1B60] =	vst v2  }
0xd3: {  	[tilespmem:s17+$0x1B70] =	vst v2  }
0xd4: {  	[tilespmem:s17+$0x1B80] =	vst v2  }
0xd5: {  	[tilespmem:s17+$0x1B90] =	vst v2  }
0xd6: {  	[tilespmem:s17+$0x1BA0] =	vst v2  }
0xd7: {  	[tilespmem:s17+$0x1BB0] =	vst v2  }
0xd8: {  	[tilespmem:s17+$0x1BC0] =	vst v2  }
0xd9: {  	[tilespmem:s17+$0x1BD0] =	vst v2  }
0xda: {  	[tilespmem:s17+$0x1BE0] =	vst v2  }
0xdb: {  	[tilespmem:s17+$0x1BF0] =	vst v2  }
0xdc: {  	[tilespmem:s17+$0x1C00] =	vst v2  }
0xdd: {  	[tilespmem:s17+$0x1C10] =	vst v2  }
0xde: {  	[tilespmem:s17+$0x1C20] =	vst v2  }
0xdf: {  	[tilespmem:s17+$0x1C30] =	vst v2  }
0xe0: {  	[tilespmem:s17+$0x1C40] =	vst v2  }
0xe1: {  	[tilespmem:s17+$0x1C50] =	vst v2  }
0xe2: {  	[tilespmem:s17+$0x1C60] =	vst v2  }
0xe3: {  	[tilespmem:s17+$0x1C70] =	vst v2  }
0xe4: {  	[tilespmem:s17+$0x1C80] =	vst v2  }
0xe5: {  	[tilespmem:s17+$0x1C90] =	vst v2  }
0xe6: {  	[tilespmem:s17+$0x1CA0] =	vst v2  }
0xe7: {  	[tilespmem:s17+$0x1CB0] =	vst v2  }
0xe8: {  	[tilespmem:s17+$0x1CC0] =	vst v2  }
0xe9: {  	[tilespmem:s17+$0x1CD0] =	vst v2  }
0xea: {  	[tilespmem:s17+$0x1CE0] =	vst v2  }
0xeb: {  	[tilespmem:s17+$0x1CF0] =	vst v2  }
0xec: {  	[tilespmem:s17+$0x1D00] =	vst v2  }
0xed: {  	[tilespmem:s17+$0x1D10] =	vst v2  }
0xee: {  	[tilespmem:s17+$0x1D20] =	vst v2  }
0xef: {  	[tilespmem:s17+$0x1D30] =	vst v2  }
0xf0: {  	[tilespmem:s17+$0x1D40] =	vst v2  }
0xf1: {  	[tilespmem:s17+$0x1D50] =	vst v2  }
0xf2: {  	[tilespmem:s17+$0x1D60] =	vst v2  }
0xf3: {  	[tilespmem:s17+$0x1D70] =	vst v2  }
0xf4: {  	[tilespmem:s17+$0x1D80] =	vst v2  }
0xf5: {  	[tilespmem:s17+$0x1D90] =	vst v2  }
0xf6: {  	[tilespmem:s17+$0x1DA0] =	vst v2  }
0xf7: {  	[tilespmem:s17+$0x1DB0] =	vst v2  }
0xf8: {  	[tilespmem:s17+$0x1DC0] =	vst v2  }
0xf9: {  	[tilespmem:s17+$0x1DD0] =	vst v2  }
0xfa: {  	[tilespmem:s17+$0x1DE0] =	vst v2  }
0xfb: {  	[tilespmem:s17+$0x1DF0] =	vst v2  }
0xfc: {  	[tilespmem:s17+$0x1E00] =	vst v2  }
0xfd: {  	[tilespmem:s17+$0x1E10] =	vst v2  }
0xfe: {  	[tilespmem:s17+$0x1E20] =	vst v2  }
0xff: {  	[tilespmem:s17+$0x1E30] =	vst v2  }
0x100: {  	[tilespmem:s17+$0x1E40] =	vst v2  }
0x101: {  	[tilespmem:s17+$0x1E50] =	vst v2  }
0x102: {  	[tilespmem:s17+$0x1E60] =	vst v2  }
0x103: {  	[tilespmem:s17+$0x1E70] =	vst v2  }
0x104: {  	[tilespmem:s17+$0x1E80] =	vst v2  }
0x105: {  	[tilespmem:s17+$0x1E90] =	vst v2  }
0x106: {  	[tilespmem:s17+$0x1EA0] =	vst v2  }
0x107: {  	[tilespmem:s17+$0x1EB0] =	vst v2  }
0x108: {  	[tilespmem:s17+$0x1EC0] =	vst v2  }
0x109: {  	[tilespmem:s17+$0x1ED0] =	vst v2  }
0x10a: {  	[tilespmem:s17+$0x1EE0] =	vst v2  }
0x10b: {  	[tilespmem:s17+$0x1EF0] =	vst v2  }
0x10c: {  	[tilespmem:s17+$0x1F00] =	vst v2  }
0x10d: {  	[tilespmem:s17+$0x1F10] =	vst v2  }
0x10e: {  	[tilespmem:s17+$0x1F20] =	vst v2  }
0x10f: {  	[tilespmem:s17+$0x1F30] =	vst v2  }
0x110: {  	[tilespmem:s17+$0x1F40] =	vst v2  }
0x111: {  	[tilespmem:s17+$0x1F50] =	vst v2  }
0x112: {  	[tilespmem:s17+$0x1F60] =	vst v2  }
0x113: {  	[tilespmem:s17+$0x1F70] =	vst v2  }
0x114: {  	[tilespmem:s17+$0x1F80] =	vst v2  }
0x115: {  	[tilespmem:s17+$0x1F90] =	vst v2  }
0x116: {  	[tilespmem:s17+$0x1FA0] =	vst v2  }
0x117: {  	[tilespmem:s17+$0x1FB0] =	vst v2  }
0x118: {  	[tilespmem:s17+$0x1FC0] =	vst v2  }
0x119: {  	[tilespmem:s17+$0x1FD0] =	vst v2  }
0x11a: {  	[tilespmem:s17+$0x1FE0] =	vst v2;
	s17 =	simm.s32 $0x0  }
.LBB2_4:
0x11b: {  	s18 =	sshra.s32 s17, $0x2  }
0x11c: {  	v10 =	vld [tilespmem:s18+$0x0];
	_ =	sdelay $0x4  }
0x11d: {  	v11 =	vsub.s32 v10, v1  }
0x11e: {  	vm0 =	vge.s32 v10, v1;
	vm1 =	vlt.s32 v11, $0x100  }
0x11f: {  	v10 =	vshll.u32 v11, $0x7;
	vm0 =	vmand vm0, vm1  }
0x120: {  	v11 =	vld [tilespmem:s18+$0xC00];
	v10 =	vor.u32 v0, v10;
	_ =	sdelay $0x4  }
0x121: {  	[tilespmem:v10+s15+$0x0] =	vst.idx.add.f32.msk vm0, v11  }
0x122: {  	v10 =	vld [tilespmem:s18+$0x10];
	_ =	sdelay $0x4  }
0x123: {  	v11 =	vsub.s32 v10, v1  }
0x124: {  	vm14 =	vge.s32 v10, v1;
	vm15 =	vlt.s32 v11, $0x100  }
0x125: {  	v10 =	vshll.u32 v11, $0x7;
	vm0 =	vmand vm14, vm15  }
0x126: {  	v11 =	vld [tilespmem:s18+$0xC10];
	v10 =	vor.u32 v3, v10;
	_ =	sdelay $0x4  }
0x127: {  	[tilespmem:v10+s15+$0x0] =	vst.idx.add.f32.msk vm0, v11  }
0x128: {  	v10 =	vld [tilespmem:s18+$0x20];
	_ =	sdelay $0x4  }
0x129: {  	v11 =	vsub.s32 v10, v1  }
0x12a: {  	vm4 =	vge.s32 v10, v1;
	vm5 =	vlt.s32 v11, $0x100  }
0x12b: {  	v10 =	vshll.u32 v11, $0x7;
	vm0 =	vmand vm4, vm5  }
0x12c: {  	v11 =	vld [tilespmem:s18+$0xC20];
	v10 =	vor.u32 v4, v10;
	_ =	sdelay $0x4  }
0x12d: {  	[tilespmem:v10+s15+$0x0] =	vst.idx.add.f32.msk vm0, v11  }
0x12e: {  	v10 =	vld [tilespmem:s18+$0x30];
	_ =	sdelay $0x4  }
0x12f: {  	v11 =	vsub.s32 v10, v1  }
0x130: {  	vm6 =	vge.s32 v10, v1;
	vm7 =	vlt.s32 v11, $0x100  }
0x131: {  	v10 =	vshll.u32 v11, $0x7;
	vm0 =	vmand vm6, vm7  }
0x132: {  	v11 =	vld [tilespmem:s18+$0xC30];
	v10 =	vor.u32 v5, v10;
	_ =	sdelay $0x4  }
0x133: {  	[tilespmem:v10+s15+$0x0] =	vst.idx.add.f32.msk vm0, v11  }
0x134: {  	v10 =	vld [tilespmem:s18+$0x40];
	_ =	sdelay $0x4  }
0x135: {  	v11 =	vsub.s32 v10, v1  }
0x136: {  	vm8 =	vge.s32 v10, v1;
	vm9 =	vlt.s32 v11, $0x100  }
0x137: {  	v10 =	vshll.u32 v11, $0x7;
	vm0 =	vmand vm8, vm9  }
0x138: {  	v11 =	vld [tilespmem:s18+$0xC40];
	v10 =	vor.u32 v6, v10;
	_ =	sdelay $0x4  }
0x139: {  	[tilespmem:v10+s15+$0x0] =	vst.idx.add.f32.msk vm0, v11  }
0x13a: {  	v10 =	vld [tilespmem:s18+$0x50];
	_ =	sdelay $0x4  }
0x13b: {  	v11 =	vsub.s32 v10, v1  }
0x13c: {  	vm10 =	vge.s32 v10, v1;
	vm11 =	vlt.s32 v11, $0x100  }
0x13d: {  	v10 =	vshll.u32 v11, $0x7;
	vm0 =	vmand vm10, vm11  }
0x13e: {  	v11 =	vld [tilespmem:s18+$0xC50];
	v10 =	vor.u32 v7, v10;
	_ =	sdelay $0x4  }
0x13f: {  	[tilespmem:v10+s15+$0x0] =	vst.idx.add.f32.msk vm0, v11  }
0x140: {  	v10 =	vld [tilespmem:s18+$0x60];
	_ =	sdelay $0x4  }
0x141: {  	v11 =	vsub.s32 v10, v1  }
0x142: {  	vm12 =	vge.s32 v10, v1;
	vm13 =	vlt.s32 v11, $0x100  }
0x143: {  	v10 =	vshll.u32 v11, $0x7;
	vm0 =	vmand vm12, vm13  }
0x144: {  	v11 =	vld [tilespmem:s18+$0xC60];
	v10 =	vor.u32 v8, v10;
	_ =	sdelay $0x4  }
0x145: {  	[tilespmem:v10+s15+$0x0] =	vst.idx.add.f32.msk vm0, v11  }
0x146: {  	v10 =	vld [tilespmem:s18+$0x70];
	_ =	sdelay $0x4  }
0x147: {  	v11 =	vsub.s32 v10, v1  }
0x148: {  	vm14 =	vge.s32 v10, v1;
	vm15 =	vlt.s32 v11, $0x100  }
0x149: {  	v10 =	vshll.u32 v11, $0x7;
	vm0 =	vmand vm14, vm15  }
0x14a: {  	p0 =	sne.s32 s17, $0x2600;
	v11 =	vld [tilespmem:s18+$0xC70];
	v10 =	vor.u32 v9, v10  }
.Ltmp1:
0x14b: {  	_ = 	snop;
	(pc) =	sbr.rel @p0 .LBB2_4-.Ltmp1, $2  }
0x14c: {  	_ =	sdelay $0x2  }
0x14d: {  	s17 =	sadd.s32 $0x200, s17;
	[tilespmem:v10+s15+$0x0] =	vst.idx.add.f32.msk vm0, v11  }
0x14e: {  	s16 =	sadd.s32 $0x1, s16  }
0x14f: {  	p0 =	sne.s32 s16, s7  }
.Ltmp2:
0x150: {  	_ = 	snop;
	(pc) =	sbr.rel @p0 .LBB2_1-.Ltmp2, $4  }
0x151: {  	[hbm4b:s6+s8] =	stream.strided.scatter [tilespmem:s15], [sflag:$0x1], $0x8000, s9, s8, $0x38;
	[tilespmem:$0x9800] =	vst v63  }
0x152: {  	_ =	swait.ge [sflag:s11], $0x8000  }
0x153: {  	[sflag:s11] =	ssyncset.done $0x0  }
0x154: {  	[sflag:s11] =	ssyncadd.s32 $0xFFFF8000  }
0x155: {  	_ =	sfence.sel $0x180000  }
0x156: {  	[bflag:$0x0] =	sbarrier.arrive $0xFFFF  }
0x157: {  	p0 =	sne.s32 s1, $0x0;
	_ =	strace $0x90000047  }
0x158: {  	s0 =	sadd.s32 @!p0 $0x100000, s0;
	[bflag:$0x2] =	sbarrier.arrive $0xFFFF  }
0x159: {  	[sflag:s0] =	ssyncadd.tile.s32 @!p0 $0x1;
	_ =	shalt  }
.Lfunc_end2:
_tile_overlayer_lowered:
.L_overlay_start_2:
0x15a: {  	(tag) =	ssettag $0x2  }
0x15b: {  	s0 =	rddreg [dreg:$0x0];
	s2 =	stileid.u32  }
0x15c: {  	s1 =	rddreg [dreg:$0x1];
	p0 =	sne.s32 s2, $0x0  }
0x15d: {  	s3 =	rddreg [dreg:$0x2];
	[bflag:$0x3] =	sbarrier.arrive $0xFFFF;
	s2 =	simm.s32 @!p0 $0x1C01  }
0x15e: {  	[timem:s3], [sflag:s2] =	dma.local @!p0 [hbm:s0], s1  }
0x15f: {  	s0 =	simm.s32 @!p0 $0x1  }
0x160: {  	_ =	swait.ge @!p0 [sflag:s0], s1  }
0x161: {  	s1 =	ssub.s32 @!p0 $0x0, s1;
	[sflag:s0] =	ssyncset.done @!p0 $0x0  }
0x162: {  	[sflag:s0] =	ssyncadd.s32 @!p0 s1  }
0x163: {  	[bflag:$0x3] =	sbarrier.arrive $0xFFFF  }
0x164: {  	_ =	shalt  }

</sc_bundles>
